<compile_context>
chip_gen: v7x
topology: tpu7x:2x2x1
jax: 0.10.2.dev20260603
libtpu: 0.0.44.dev20260713+nightly
codegen_flags: <defaults>
</compile_context>

<pallas_src>
import functools

import jax
import jax.numpy as jnp
from jax import lax
from jax.experimental import pallas as pl
from jax.experimental.pallas import tpu as pltpu
from jax.experimental.pallas import tpu_sc as plsc

_N = 10000
_E = 320000
_D = 128

_NC = 2
_NS = 16
_NW = _NC * _NS
_EPT = _E // _NW
_RPT = _N // _NS
_TRASH = 8
_K = 2

_CFG = {144: 32, 128: 56}


def _nch(W):
    return -(-_EPT // _CFG[W])


def _make_agg(W, K=_K, add=True):
    C = _CFG[W]
    NCH = _nch(W)
    mesh = plsc.VectorSubcoreMesh(core_axis_name="c", subcore_axis_name="s")

    @functools.partial(
        pl.kernel,
        mesh=mesh,
        out_type=jax.ShapeDtypeStruct((_NC, _N, W), jnp.float32),
        scratch_types=[
            pltpu.VMEM((NCH, C), jnp.int32),
            pltpu.VMEM((NCH, C), jnp.int32),
            pltpu.VMEM((K, C, W), jnp.float32),
            pltpu.SemaphoreType.DMA((K,)),
            pltpu.VMEM_SHARED((_N + _TRASH, W), jnp.float32),
        ],
        compiler_params=pltpu.CompilerParams(use_tc_tiling_on_sc=False),
    )
    def agg(feat_hbm, src_hbm, dst_hbm, zeros_hbm, out_hbm, src_v, dst_v,
            rows_v, sems, acc):
        cid = lax.axis_index("c")
        sid = lax.axis_index("s")
        wid = cid * _NS + sid

        pltpu.sync_copy(zeros_hbm.at[pl.ds(0, _RPT)], acc.at[pl.ds(sid * _RPT, _RPT)])

        @pl.when(sid == 0)
        def _():
            pltpu.sync_copy(zeros_hbm.at[pl.ds(0, _TRASH)], acc.at[pl.ds(_N, _TRASH)])

        pltpu.sync_copy(src_hbm.at[wid], src_v)
        pltpu.sync_copy(dst_hbm.at[wid], dst_v)
        plsc.subcore_barrier()

        for j in range(K - 1):
            pltpu.async_copy(feat_hbm.at[src_v.at[j]], rows_v.at[j], sems.at[j])

        @pl.loop(0, NCH)
        def body(j):
            p = lax.rem(j, K)
            q = lax.rem(j + K - 1, K)

            @pl.when(j + K - 1 < NCH)
            def _():
                pltpu.async_copy(feat_hbm.at[src_v.at[j + K - 1]],
                                 rows_v.at[q], sems.at[q])

            pltpu.make_async_copy(feat_hbm.at[src_v.at[j]], rows_v.at[p],
                                  sems.at[p]).wait()
            pltpu.sync_copy(rows_v.at[p], acc.at[dst_v.at[j]], add=add)

        plsc.subcore_barrier()

        pltpu.sync_copy(acc.at[pl.ds(sid * _RPT, _RPT)],
                        out_hbm.at[cid, pl.ds(sid * _RPT, _RPT)])

    return agg


_R = 400


def _dense_body(h_ref, p_ref, inv_ref, ws_ref, wn_ref, b_ref, *rest, relu):
    if relu:
        g_ref, be_ref, out_ref = rest
    else:
        (out_ref,) = rest
    p = p_ref[0] + p_ref[1]
    neigh = p[:, :_D] * inv_ref[...]
    h = h_ref[...]
    out = (jnp.dot(h, ws_ref[...], preferred_element_type=jnp.float32)
           + jnp.dot(neigh, wn_ref[...], preferred_element_type=jnp.float32)
           + b_ref[...] + h)
    if relu:
        out = jnp.maximum(g_ref[...] * out + be_ref[...], 0.0)
    out_ref[...] = out


def _dense0_body(h_ref, p_ref, ws_ref, wn_ref, b_ref, g_ref, be_ref,
                 out_ref, inv_ref):
    p = p_ref[0] + p_ref[1]
    inv = 1.0 / jnp.maximum(p[:, _D:_D + 1], 1.0)
    neigh = p[:, :_D] * inv
    h = h_ref[...]
    out = (jnp.dot(h, ws_ref[...], preferred_element_type=jnp.float32)
           + jnp.dot(neigh, wn_ref[...], preferred_element_type=jnp.float32)
           + b_ref[...] + h)
    out_ref[...] = jnp.maximum(g_ref[...] * out + be_ref[...], 0.0)
    inv_ref[...] = jnp.broadcast_to(inv, (_R, _D))


def _full(shape):
    return pl.BlockSpec(shape, lambda i: (0,) * len(shape))


def _rows():
    return pl.BlockSpec((_R, _D), lambda i: (i, 0))


def _dense0(h, p, ws, wn, b, g, be):
    return pl.pallas_call(
        _dense0_body,
        grid=(_N // _R,),
        in_specs=[
            _rows(),
            pl.BlockSpec((_NC, _R, _D + 16), lambda i: (0, i, 0)),
            _full((_D, _D)), _full((_D, _D)),
            _full((1, _D)), _full((1, _D)), _full((1, _D)),
        ],
        out_specs=[_rows(), _rows()],
        out_shape=[jax.ShapeDtypeStruct((_N, _D), jnp.float32),
                   jax.ShapeDtypeStruct((_N, _D), jnp.float32)],
    )(h, p, ws, wn, b, g, be)


def _dense(h, p, inv, ws, wn, b, g, be, relu):
    body = functools.partial(_dense_body, relu=relu)
    n_aff = 2 if relu else 0
    affine = (g, be) if relu else ()
    return pl.pallas_call(
        body,
        grid=(_N // _R,),
        in_specs=[
            _rows(),
            pl.BlockSpec((_NC, _R, _D), lambda i: (0, i, 0)),
            _rows(),
            _full((_D, _D)), _full((_D, _D)),
            _full((1, _D)),
        ] + [_full((1, _D))] * n_aff,
        out_specs=_rows(),
        out_shape=jax.ShapeDtypeStruct((_N, _D), jnp.float32),
    )(h, p, inv, ws, wn, b, *affine)


_agg144 = _make_agg(_D + 16, K=4)
_agg128 = _make_agg(_D, K=4)


def kernel(feat, edge_index, W_self_0, W_neigh_0, b_0, W_self_1, W_neigh_1,
           b_1, W_self_2, W_neigh_2, b_2, gamma_0, beta_0, gamma_1, beta_1):
    src = edge_index[0]
    dst = edge_index[1]

    def layout(W):
        C = _CFG[W]
        NCH = _nch(W)
        pad = NCH * C
        s3 = (jnp.zeros((_NW, pad), jnp.int32)
              .at[:, :_EPT].set(src.reshape(_NW, _EPT))
              .reshape(_NW, NCH, C))
        d3 = (jnp.full((_NW, pad), _N, jnp.int32)
              .at[:, :_EPT].set(dst.reshape(_NW, _EPT))
              .reshape(_NW, NCH, C))
        return s3, d3

    src_a, dst_a = layout(_D + 16)
    src_b, dst_b = layout(_D)
    z144 = jnp.zeros((_RPT, _D + 16), jnp.float32)
    z128 = jnp.zeros((_RPT, _D), jnp.float32)

    feat_aug = jnp.concatenate(
        [feat, jnp.ones((_N, 1), jnp.float32), jnp.zeros((_N, 15), jnp.float32)],
        axis=1)

    b0 = b_0.reshape(1, _D)
    b1 = b_1.reshape(1, _D)
    b2 = b_2.reshape(1, _D)
    g0 = gamma_0.reshape(1, _D)
    be0 = beta_0.reshape(1, _D)
    g1 = gamma_1.reshape(1, _D)
    be1 = beta_1.reshape(1, _D)

    p0 = _agg144(feat_aug, src_a, dst_a, z144)
    h1, inv = _dense0(feat, p0, W_self_0, W_neigh_0, b0, g0, be0)
    p1 = _agg128(h1, src_b, dst_b, z128)
    h2 = _dense(h1, p1, inv, W_self_1, W_neigh_1, b1, g1, be1, relu=True)
    p2 = _agg128(h2, src_b, dst_b, z128)
    h3 = _dense(h2, p2, inv, W_self_2, W_neigh_2, b2, None, None, relu=False)
    return h3

# --- scband reference (transcript-rebuilt; emitter-appended) ---
"""Pipeline reference for scband-sage-14173392077064 (READ-ONLY COPY).

The authoritative reference and input builder live on the scoring server;
editing this copy changes nothing except your own understanding.
"""

import jax, jax.numpy as jnp
import numpy as np

N = 10000
E = 320000
D = 128
H = 128
O = 128

def setup_inputs(seed: int = 0):
    key = jax.random.key(seed)
    ks = jax.random.split(key, 16)
    feat = jax.random.normal(ks[0], (N, D), dtype=jnp.float32)
    edge_index = jax.random.randint(ks[1], (2, E), 0, N, dtype=jnp.int32)
    inp = {"feat": feat, "edge_index": edge_index}
    dims = [(D, H), (H, H), (H, O)]
    for i, (di, do) in enumerate(dims):
        inp[f"W_self_{i}"] = jax.random.normal(ks[2 + 3 * i], (di, do), dtype=jnp.float32) * 0.05
        inp[f"W_neigh_{i}"] = jax.random.normal(ks[3 + 3 * i], (di, do), dtype=jnp.float32) * 0.05
        inp[f"b_{i}"] = jnp.zeros((do,), dtype=jnp.float32)
    for i in range(2):
        inp[f"gamma_{i}"] = jnp.ones((H,), dtype=jnp.float32)
        inp[f"beta_{i}"] = jnp.zeros((H,), dtype=jnp.float32)
    return inp

def _sage_forward(feat, edge_index, params, norms):
    # Eval-mode SAGE: dropout is a no-op, BatchNorm uses running stats
    # (running_mean=0, running_var=1 => affine-only transform).
    src = edge_index[0]
    dst = edge_index[1]
    h = feat
    n_layers = len(params)
    ones = jnp.ones((src.shape[0], 1), dtype=jnp.float32)
    for i, (Ws, Wn, b) in enumerate(params):
        h_dst = h  # full-graph MFG: num_dst_nodes == N
        msg = h[src]  # gather over edges
        agg = jax.ops.segment_sum(msg, dst, num_segments=N)  # scatter-add to dst
        deg = jax.ops.segment_sum(ones, dst, num_segments=N)
        h_neigh = agg / jnp.maximum(deg, 1.0)  # 'mean' aggregator
        h_new = h_dst @ Ws + h_neigh @ Wn + b  # DGL SAGEConv: fc_self + fc_neigh
        if h_dst.shape[1] == h_new.shape[1]:  # residual
            h_new = h_new + h_dst
        if i < n_layers - 1:
            g, be = norms[i]
            h_new = g * h_new + be  # BatchNorm1d eval mode
            h_new = jax.nn.relu(h_new)
        h = h_new
    return h

def reference(feat, edge_index, W_self_0, W_neigh_0, b_0, W_self_1, W_neigh_1, b_1, W_self_2, W_neigh_2, b_2, gamma_0, beta_0, gamma_1, beta_1):
    params = [(W_self_0, W_neigh_0, b_0), (W_self_1, W_neigh_1, b_1), (W_self_2, W_neigh_2, b_2)]
    norms = [(gamma_0, beta_0), (gamma_1, beta_1)]
    return _sage_forward(feat, edge_index, params, norms)

if __name__ == "__main__":
    import jax
    _d = setup_inputs()
    print(jax.jit(kernel)(*tuple(_d.values())))

</pallas_src>

<mosaic_0001>
#map = affine_map<(d0, d1) -> (0, 0)>
#map1 = affine_map<(d0, d1) -> (0, 0, 0)>
module attributes {stable_mosaic.version = 14 : i64} {
  func.func @agg(%arg0: i32, %arg1: i32, %arg2: memref<10000x128xf32, #tpu.memory_space<hbm>>, %arg3: memref<32x179x56xi32, #tpu.memory_space<hbm>>, %arg4: memref<32x179x56xi32, #tpu.memory_space<hbm>>, %arg5: memref<625x128xf32, #tpu.memory_space<hbm>>, %arg6: memref<2x10000x128xf32, #tpu.memory_space<hbm>>, %arg7: memref<179x56xi32, #tpu.memory_space<vmem>>, %arg8: memref<179x56xi32, #tpu.memory_space<vmem>>, %arg9: memref<4x56x128xf32, #tpu.memory_space<vmem>>, %arg10: memref<4x!tpu.dma_semaphore, #tpu.memory_space<semaphore_mem>>, %arg11: memref<10008x128xf32, #tpu.memory_space<vmem_shared>>) attributes {dimension_semantics = [#tpu.dimension_semantics<core_parallel>, #tpu.dimension_semantics<subcore_parallel>], iteration_bounds = array<i64: 2, 16>, scalar_prefetch = 0 : i64, scratch_operands = 5 : i64, tpu.core_type = #tpu.core_type<sc_vector_subcore>, window_params = [{transform_indices = #map}, {transform_indices = #map1}, {transform_indices = #map1}, {transform_indices = #map}, {transform_indices = #map1}]} {
    %mul3A = arith.constant 16 : i32
    %mul3A_0 = arith.muli %arg0, %mul3A : i32
    %add3A = arith.addi %mul3A_0, %arg1 : i32
    %mul3A_1 = arith.constant 625 : i32
    %mul3A_2 = arith.muli %arg1, %mul3A_1 : i32
    "tpu.region"() ({
      %run_scoped3A = tpu.sem_alloc : memref<!tpu.dma_semaphore, #tpu.memory_space<semaphore_mem>>
      %dma_start3A_58 = arith.constant 0 : i32
      %dma_start3A_59 = tpu.memref_slice %arg11[%mul3A_2, %dma_start3A_58] : memref<10008x128xf32, #tpu.memory_space<vmem_shared>> -> memref<625x128xf32, #tpu.memory_space<vmem_shared>>
      %dma_start3A_60 = arith.constant 0 : i32
      %dma_start3A_61 = arith.constant 0 : i32
      %dma_start3A_62 = tpu.memref_slice %arg5[%dma_start3A_60, %dma_start3A_61] : memref<625x128xf32, #tpu.memory_space<hbm>> -> memref<625x128xf32, #tpu.memory_space<hbm>>
      tpu.enqueue_dma source(%dma_start3A_62 : memref<625x128xf32, #tpu.memory_space<hbm>>) target(%dma_start3A_59 : memref<625x128xf32, #tpu.memory_space<vmem_shared>>) target_semaphore(%run_scoped3A : memref<!tpu.dma_semaphore, #tpu.memory_space<semaphore_mem>>)
      %dma_wait3A = arith.constant 0 : i32
      %dma_wait3A_63 = tpu.memref_slice %arg11[%mul3A_2, %dma_wait3A] : memref<10008x128xf32, #tpu.memory_space<vmem_shared>> -> memref<625x128xf32, #tpu.memory_space<vmem_shared>>
      %dma_wait3A_64 = arith.constant 0 : i32
      %dma_wait3A_65 = arith.constant 0 : i32
      %dma_wait3A_66 = tpu.memref_slice %arg5[%dma_wait3A_64, %dma_wait3A_65] : memref<625x128xf32, #tpu.memory_space<hbm>> -> memref<625x128xf32, #tpu.memory_space<hbm>>
      tpu.wait_dma2 semaphore(%run_scoped3A : memref<!tpu.dma_semaphore, #tpu.memory_space<semaphore_mem>>) src(%dma_wait3A_66 : memref<625x128xf32, #tpu.memory_space<hbm>>) dst(%dma_wait3A_63 : memref<625x128xf32, #tpu.memory_space<vmem_shared>>)
      tpu.yield
    }) : () -> ()
    %eq3A = arith.constant 0 : i32
    %eq3A_3 = arith.cmpi eq, %arg1, %eq3A : i32
    %convert_element_type3A = arith.extui %eq3A_3 : i1 to i32
    %cond3A = arith.constant 0 : i32
    %cond3A_4 = arith.cmpi ne, %convert_element_type3A, %cond3A : i32
    scf.if %cond3A_4 {
      "tpu.region"() ({
        %run_scoped3A = tpu.sem_alloc : memref<!tpu.dma_semaphore, #tpu.memory_space<semaphore_mem>>
        %dma_start3A_58 = arith.constant 10000 : i32
        %dma_start3A_59 = arith.constant 0 : i32
        %dma_start3A_60 = tpu.memref_slice %arg11[%dma_start3A_58, %dma_start3A_59] : memref<10008x128xf32, #tpu.memory_space<vmem_shared>> -> memref<8x128xf32, #tpu.memory_space<vmem_shared>>
        %dma_start3A_61 = arith.constant 0 : i32
        %dma_start3A_62 = arith.constant 0 : i32
        %dma_start3A_63 = tpu.memref_slice %arg5[%dma_start3A_61, %dma_start3A_62] : memref<625x128xf32, #tpu.memory_space<hbm>> -> memref<8x128xf32, #tpu.memory_space<hbm>>
        tpu.enqueue_dma source(%dma_start3A_63 : memref<8x128xf32, #tpu.memory_space<hbm>>) target(%dma_start3A_60 : memref<8x128xf32, #tpu.memory_space<vmem_shared>>) target_semaphore(%run_scoped3A : memref<!tpu.dma_semaphore, #tpu.memory_space<semaphore_mem>>)
        %dma_wait3A = arith.constant 10000 : i32
        %dma_wait3A_64 = arith.constant 0 : i32
        %dma_wait3A_65 = tpu.memref_slice %arg11[%dma_wait3A, %dma_wait3A_64] : memref<10008x128xf32, #tpu.memory_space<vmem_shared>> -> memref<8x128xf32, #tpu.memory_space<vmem_shared>>
        %dma_wait3A_66 = arith.constant 0 : i32
        %dma_wait3A_67 = arith.constant 0 : i32
        %dma_wait3A_68 = tpu.memref_slice %arg5[%dma_wait3A_66, %dma_wait3A_67] : memref<625x128xf32, #tpu.memory_space<hbm>> -> memref<8x128xf32, #tpu.memory_space<hbm>>
        tpu.wait_dma2 semaphore(%run_scoped3A : memref<!tpu.dma_semaphore, #tpu.memory_space<semaphore_mem>>) src(%dma_wait3A_68 : memref<8x128xf32, #tpu.memory_space<hbm>>) dst(%dma_wait3A_65 : memref<8x128xf32, #tpu.memory_space<vmem_shared>>)
        tpu.yield
      }) : () -> ()
    } else {
    }
    "tpu.region"() ({
      %run_scoped3A = tpu.sem_alloc : memref<!tpu.dma_semaphore, #tpu.memory_space<semaphore_mem>>
      %dma_start3A_58 = arith.constant 0 : i32
      %dma_start3A_59 = arith.constant 0 : i32
      %dma_start3A_60 = tpu.memref_slice %arg3[%add3A, %dma_start3A_58, %dma_start3A_59] : memref<32x179x56xi32, #tpu.memory_space<hbm>> -> memref<1x179x56xi32, #tpu.memory_space<hbm>>
      %dma_start3A_61 = tpu.memref_squeeze %dma_start3A_60 : memref<1x179x56xi32, #tpu.memory_space<hbm>> -> memref<179x56xi32, #tpu.memory_space<hbm>>
      %dma_start3A_62 = arith.constant 0 : i32
      %dma_start3A_63 = arith.constant 0 : i32
      %dma_start3A_64 = tpu.memref_slice %arg3[%add3A, %dma_start3A_62, %dma_start3A_63] : memref<32x179x56xi32, #tpu.memory_space<hbm>> -> memref<1x179x56xi32, #tpu.memory_space<hbm>>
      %dma_start3A_65 = tpu.memref_squeeze %dma_start3A_64 : memref<1x179x56xi32, #tpu.memory_space<hbm>> -> memref<179x56xi32, #tpu.memory_space<hbm>>
      tpu.enqueue_dma source(%dma_start3A_65 : memref<179x56xi32, #tpu.memory_space<hbm>>) target(%arg7 : memref<179x56xi32, #tpu.memory_space<vmem>>) target_semaphore(%run_scoped3A : memref<!tpu.dma_semaphore, #tpu.memory_space<semaphore_mem>>)
      %dma_wait3A = arith.constant 0 : i32
      %dma_wait3A_66 = arith.constant 0 : i32
      %dma_wait3A_67 = tpu.memref_slice %arg3[%add3A, %dma_wait3A, %dma_wait3A_66] : memref<32x179x56xi32, #tpu.memory_space<hbm>> -> memref<1x179x56xi32, #tpu.memory_space<hbm>>
      %dma_wait3A_68 = tpu.memref_squeeze %dma_wait3A_67 : memref<1x179x56xi32, #tpu.memory_space<hbm>> -> memref<179x56xi32, #tpu.memory_space<hbm>>
      %dma_wait3A_69 = arith.constant 0 : i32
      %dma_wait3A_70 = arith.constant 0 : i32
      %dma_wait3A_71 = tpu.memref_slice %arg3[%add3A, %dma_wait3A_69, %dma_wait3A_70] : memref<32x179x56xi32, #tpu.memory_space<hbm>> -> memref<1x179x56xi32, #tpu.memory_space<hbm>>
      %dma_wait3A_72 = tpu.memref_squeeze %dma_wait3A_71 : memref<1x179x56xi32, #tpu.memory_space<hbm>> -> memref<179x56xi32, #tpu.memory_space<hbm>>
      tpu.wait_dma2 semaphore(%run_scoped3A : memref<!tpu.dma_semaphore, #tpu.memory_space<semaphore_mem>>) src(%dma_wait3A_72 : memref<179x56xi32, #tpu.memory_space<hbm>>) dst(%arg7 : memref<179x56xi32, #tpu.memory_space<vmem>>)
      tpu.yield
    }) : () -> ()
    "tpu.region"() ({
      %run_scoped3A = tpu.sem_alloc : memref<!tpu.dma_semaphore, #tpu.memory_space<semaphore_mem>>
      %dma_start3A_58 = arith.constant 0 : i32
      %dma_start3A_59 = arith.constant 0 : i32
      %dma_start3A_60 = tpu.memref_slice %arg4[%add3A, %dma_start3A_58, %dma_start3A_59] : memref<32x179x56xi32, #tpu.memory_space<hbm>> -> memref<1x179x56xi32, #tpu.memory_space<hbm>>
      %dma_start3A_61 = tpu.memref_squeeze %dma_start3A_60 : memref<1x179x56xi32, #tpu.memory_space<hbm>> -> memref<179x56xi32, #tpu.memory_space<hbm>>
      %dma_start3A_62 = arith.constant 0 : i32
      %dma_start3A_63 = arith.constant 0 : i32
      %dma_start3A_64 = tpu.memref_slice %arg4[%add3A, %dma_start3A_62, %dma_start3A_63] : memref<32x179x56xi32, #tpu.memory_space<hbm>> -> memref<1x179x56xi32, #tpu.memory_space<hbm>>
      %dma_start3A_65 = tpu.memref_squeeze %dma_start3A_64 : memref<1x179x56xi32, #tpu.memory_space<hbm>> -> memref<179x56xi32, #tpu.memory_space<hbm>>
      tpu.enqueue_dma source(%dma_start3A_65 : memref<179x56xi32, #tpu.memory_space<hbm>>) target(%arg8 : memref<179x56xi32, #tpu.memory_space<vmem>>) target_semaphore(%run_scoped3A : memref<!tpu.dma_semaphore, #tpu.memory_space<semaphore_mem>>)
      %dma_wait3A = arith.constant 0 : i32
      %dma_wait3A_66 = arith.constant 0 : i32
      %dma_wait3A_67 = tpu.memref_slice %arg4[%add3A, %dma_wait3A, %dma_wait3A_66] : memref<32x179x56xi32, #tpu.memory_space<hbm>> -> memref<1x179x56xi32, #tpu.memory_space<hbm>>
      %dma_wait3A_68 = tpu.memref_squeeze %dma_wait3A_67 : memref<1x179x56xi32, #tpu.memory_space<hbm>> -> memref<179x56xi32, #tpu.memory_space<hbm>>
      %dma_wait3A_69 = arith.constant 0 : i32
      %dma_wait3A_70 = arith.constant 0 : i32
      %dma_wait3A_71 = tpu.memref_slice %arg4[%add3A, %dma_wait3A_69, %dma_wait3A_70] : memref<32x179x56xi32, #tpu.memory_space<hbm>> -> memref<1x179x56xi32, #tpu.memory_space<hbm>>
      %dma_wait3A_72 = tpu.memref_squeeze %dma_wait3A_71 : memref<1x179x56xi32, #tpu.memory_space<hbm>> -> memref<179x56xi32, #tpu.memory_space<hbm>>
      tpu.wait_dma2 semaphore(%run_scoped3A : memref<!tpu.dma_semaphore, #tpu.memory_space<semaphore_mem>>) src(%dma_wait3A_72 : memref<179x56xi32, #tpu.memory_space<hbm>>) dst(%arg8 : memref<179x56xi32, #tpu.memory_space<vmem>>)
      tpu.yield
    }) : () -> ()
    %barrier3A = arith.constant 0 : index
    tpu.barrier barrier_id(%barrier3A)
    %dma_start3A = arith.constant 0 : i32
    %dma_start3A_5 = arith.constant 0 : i32
    %dma_start3A_6 = arith.constant 0 : i32
    %dma_start3A_7 = arith.constant 0 : i32
    %dma_start3A_8 = arith.constant 0 : i32
    %dma_start3A_9 = tpu.memref_slice %arg9[%dma_start3A_5, %dma_start3A_7, %dma_start3A_8] : memref<4x56x128xf32, #tpu.memory_space<vmem>> -> memref<1x56x128xf32, #tpu.memory_space<vmem>>
    %dma_start3A_10 = tpu.memref_squeeze %dma_start3A_9 : memref<1x56x128xf32, #tpu.memory_space<vmem>> -> memref<56x128xf32, #tpu.memory_space<vmem>>
    %dma_start3A_11 = arith.constant 0 : i32
    %dma_start3A_12 = tpu.memref_slice %arg7[%dma_start3A, %dma_start3A_11] : memref<179x56xi32, #tpu.memory_space<vmem>> -> memref<1x56xi32, #tpu.memory_space<vmem>>
    %dma_start3A_13 = tpu.memref_squeeze %dma_start3A_12 : memref<1x56xi32, #tpu.memory_space<vmem>> -> memref<56xi32, #tpu.memory_space<vmem>>
    %dma_start3A_14 = arith.constant 0 : i32
    %dma_start3A_15 = arith.constant 0 : i32
    %dma_start3A_16 = tpu.memref_slice %arg2[%dma_start3A_14, %dma_start3A_15] : memref<10000x128xf32, #tpu.memory_space<hbm>> -> memref<10000x128xf32, #tpu.memory_space<hbm>>
    %dma_start3A_17 = tpu.memref_slice %arg10[%dma_start3A_6] : memref<4x!tpu.dma_semaphore, #tpu.memory_space<semaphore_mem>> -> memref<1x!tpu.dma_semaphore, #tpu.memory_space<semaphore_mem>>
    %dma_start3A_18 = tpu.memref_squeeze %dma_start3A_17 : memref<1x!tpu.dma_semaphore, #tpu.memory_space<semaphore_mem>> -> memref<!tpu.dma_semaphore, #tpu.memory_space<semaphore_mem>>
    tpu.enqueue_indirect_dma source(%dma_start3A_16 : memref<10000x128xf32, #tpu.memory_space<hbm>>) target(%dma_start3A_10 : memref<56x128xf32, #tpu.memory_space<vmem>>) offsets(%dma_start3A_13 : memref<56xi32, #tpu.memory_space<vmem>>) semaphore(%dma_start3A_18 : memref<!tpu.dma_semaphore, #tpu.memory_space<semaphore_mem>>)
    %dma_start3A_19 = arith.constant 1 : i32
    %dma_start3A_20 = arith.constant 1 : i32
    %dma_start3A_21 = arith.constant 1 : i32
    %dma_start3A_22 = arith.constant 0 : i32
    %dma_start3A_23 = arith.constant 0 : i32
    %dma_start3A_24 = tpu.memref_slice %arg9[%dma_start3A_20, %dma_start3A_22, %dma_start3A_23] : memref<4x56x128xf32, #tpu.memory_space<vmem>> -> memref<1x56x128xf32, #tpu.memory_space<vmem>>
    %dma_start3A_25 = tpu.memref_squeeze %dma_start3A_24 : memref<1x56x128xf32, #tpu.memory_space<vmem>> -> memref<56x128xf32, #tpu.memory_space<vmem>>
    %dma_start3A_26 = arith.constant 0 : i32
    %dma_start3A_27 = tpu.memref_slice %arg7[%dma_start3A_19, %dma_start3A_26] : memref<179x56xi32, #tpu.memory_space<vmem>> -> memref<1x56xi32, #tpu.memory_space<vmem>>
    %dma_start3A_28 = tpu.memref_squeeze %dma_start3A_27 : memref<1x56xi32, #tpu.memory_space<vmem>> -> memref<56xi32, #tpu.memory_space<vmem>>
    %dma_start3A_29 = arith.constant 0 : i32
    %dma_start3A_30 = arith.constant 0 : i32
    %dma_start3A_31 = tpu.memref_slice %arg2[%dma_start3A_29, %dma_start3A_30] : memref<10000x128xf32, #tpu.memory_space<hbm>> -> memref<10000x128xf32, #tpu.memory_space<hbm>>
    %dma_start3A_32 = tpu.memref_slice %arg10[%dma_start3A_21] : memref<4x!tpu.dma_semaphore, #tpu.memory_space<semaphore_mem>> -> memref<1x!tpu.dma_semaphore, #tpu.memory_space<semaphore_mem>>
    %dma_start3A_33 = tpu.memref_squeeze %dma_start3A_32 : memref<1x!tpu.dma_semaphore, #tpu.memory_space<semaphore_mem>> -> memref<!tpu.dma_semaphore, #tpu.memory_space<semaphore_mem>>
    tpu.enqueue_indirect_dma source(%dma_start3A_31 : memref<10000x128xf32, #tpu.memory_space<hbm>>) target(%dma_start3A_25 : memref<56x128xf32, #tpu.memory_space<vmem>>) offsets(%dma_start3A_28 : memref<56xi32, #tpu.memory_space<vmem>>) semaphore(%dma_start3A_33 : memref<!tpu.dma_semaphore, #tpu.memory_space<semaphore_mem>>)
    %dma_start3A_34 = arith.constant 2 : i32
    %dma_start3A_35 = arith.constant 2 : i32
    %dma_start3A_36 = arith.constant 2 : i32
    %dma_start3A_37 = arith.constant 0 : i32
    %dma_start3A_38 = arith.constant 0 : i32
    %dma_start3A_39 = tpu.memref_slice %arg9[%dma_start3A_35, %dma_start3A_37, %dma_start3A_38] : memref<4x56x128xf32, #tpu.memory_space<vmem>> -> memref<1x56x128xf32, #tpu.memory_space<vmem>>
    %dma_start3A_40 = tpu.memref_squeeze %dma_start3A_39 : memref<1x56x128xf32, #tpu.memory_space<vmem>> -> memref<56x128xf32, #tpu.memory_space<vmem>>
    %dma_start3A_41 = arith.constant 0 : i32
    %dma_start3A_42 = tpu.memref_slice %arg7[%dma_start3A_34, %dma_start3A_41] : memref<179x56xi32, #tpu.memory_space<vmem>> -> memref<1x56xi32, #tpu.memory_space<vmem>>
    %dma_start3A_43 = tpu.memref_squeeze %dma_start3A_42 : memref<1x56xi32, #tpu.memory_space<vmem>> -> memref<56xi32, #tpu.memory_space<vmem>>
    %dma_start3A_44 = arith.constant 0 : i32
    %dma_start3A_45 = arith.constant 0 : i32
    %dma_start3A_46 = tpu.memref_slice %arg2[%dma_start3A_44, %dma_start3A_45] : memref<10000x128xf32, #tpu.memory_space<hbm>> -> memref<10000x128xf32, #tpu.memory_space<hbm>>
    %dma_start3A_47 = tpu.memref_slice %arg10[%dma_start3A_36] : memref<4x!tpu.dma_semaphore, #tpu.memory_space<semaphore_mem>> -> memref<1x!tpu.dma_semaphore, #tpu.memory_space<semaphore_mem>>
    %dma_start3A_48 = tpu.memref_squeeze %dma_start3A_47 : memref<1x!tpu.dma_semaphore, #tpu.memory_space<semaphore_mem>> -> memref<!tpu.dma_semaphore, #tpu.memory_space<semaphore_mem>>
    tpu.enqueue_indirect_dma source(%dma_start3A_46 : memref<10000x128xf32, #tpu.memory_space<hbm>>) target(%dma_start3A_40 : memref<56x128xf32, #tpu.memory_space<vmem>>) offsets(%dma_start3A_43 : memref<56xi32, #tpu.memory_space<vmem>>) semaphore(%dma_start3A_48 : memref<!tpu.dma_semaphore, #tpu.memory_space<semaphore_mem>>)
    %scan3A = arith.constant 0 : i32
    %scan3A_49 = arith.constant 179 : i32
    %scan3A_50 = arith.addi %scan3A, %scan3A_49 : i32
    %scan3A_51 = arith.constant 1 : i32
    scf.for %scan3A_58 = %scan3A to %scan3A_50 step %scan3A_51  : i32 {
      %mul3A_59 = arith.constant 1 : i32
      %mul3A_60 = arith.muli %scan3A_58, %mul3A_59 : i32
      %add3A_61 = arith.constant 0 : i32
      %add3A_62 = arith.addi %add3A_61, %mul3A_60 : i32
      %rem3A = arith.constant 4 : i32
      %rem3A_63 = arith.remsi %add3A_62, %rem3A : i32
      %add3A_64 = arith.constant 4 : i32
      %add3A_65 = arith.addi %add3A_62, %add3A_64 : i32
      %sub3A = arith.constant 1 : i32
      %sub3A_66 = arith.subi %add3A_65, %sub3A : i32
      %rem3A_67 = arith.constant 4 : i32
      %rem3A_68 = arith.remsi %sub3A_66, %rem3A_67 : i32
      %add3A_69 = arith.constant 4 : i32
      %add3A_70 = arith.addi %add3A_62, %add3A_69 : i32
      %sub3A_71 = arith.constant 1 : i32
      %sub3A_72 = arith.subi %add3A_70, %sub3A_71 : i32
      %lt3A = arith.constant 179 : i32
      %lt3A_73 = arith.cmpi slt, %sub3A_72, %lt3A : i32
      %convert_element_type3A_74 = arith.extui %lt3A_73 : i1 to i32
      %cond3A_75 = arith.constant 0 : i32
      %cond3A_76 = arith.cmpi ne, %convert_element_type3A_74, %cond3A_75 : i32
      scf.if %cond3A_76 {
        %add3A_88 = arith.constant 4 : i32
        %add3A_89 = arith.addi %add3A_62, %add3A_88 : i32
        %sub3A_90 = arith.constant 1 : i32
        %sub3A_91 = arith.subi %add3A_89, %sub3A_90 : i32
        %dma_start3A_92 = arith.constant 0 : i32
        %dma_start3A_93 = arith.constant 0 : i32
        %dma_start3A_94 = tpu.memref_slice %arg9[%rem3A_68, %dma_start3A_92, %dma_start3A_93] : memref<4x56x128xf32, #tpu.memory_space<vmem>> -> memref<1x56x128xf32, #tpu.memory_space<vmem>>
        %dma_start3A_95 = tpu.memref_squeeze %dma_start3A_94 : memref<1x56x128xf32, #tpu.memory_space<vmem>> -> memref<56x128xf32, #tpu.memory_space<vmem>>
        %dma_start3A_96 = arith.constant 0 : i32
        %dma_start3A_97 = tpu.memref_slice %arg7[%sub3A_91, %dma_start3A_96] : memref<179x56xi32, #tpu.memory_space<vmem>> -> memref<1x56xi32, #tpu.memory_space<vmem>>
        %dma_start3A_98 = tpu.memref_squeeze %dma_start3A_97 : memref<1x56xi32, #tpu.memory_space<vmem>> -> memref<56xi32, #tpu.memory_space<vmem>>
        %dma_start3A_99 = arith.constant 0 : i32
        %dma_start3A_100 = arith.constant 0 : i32
        %dma_start3A_101 = tpu.memref_slice %arg2[%dma_start3A_99, %dma_start3A_100] : memref<10000x128xf32, #tpu.memory_space<hbm>> -> memref<10000x128xf32, #tpu.memory_space<hbm>>
        %dma_start3A_102 = tpu.memref_slice %arg10[%rem3A_68] : memref<4x!tpu.dma_semaphore, #tpu.memory_space<semaphore_mem>> -> memref<1x!tpu.dma_semaphore, #tpu.memory_space<semaphore_mem>>
        %dma_start3A_103 = tpu.memref_squeeze %dma_start3A_102 : memref<1x!tpu.dma_semaphore, #tpu.memory_space<semaphore_mem>> -> memref<!tpu.dma_semaphore, #tpu.memory_space<semaphore_mem>>
        tpu.enqueue_indirect_dma source(%dma_start3A_101 : memref<10000x128xf32, #tpu.memory_space<hbm>>) target(%dma_start3A_95 : memref<56x128xf32, #tpu.memory_space<vmem>>) offsets(%dma_start3A_98 : memref<56xi32, #tpu.memory_space<vmem>>) semaphore(%dma_start3A_103 : memref<!tpu.dma_semaphore, #tpu.memory_space<semaphore_mem>>)
      } else {
      }
      %dma_wait3A = arith.constant 0 : i32
      %dma_wait3A_77 = arith.constant 0 : i32
      %dma_wait3A_78 = tpu.memref_slice %arg9[%rem3A_63, %dma_wait3A, %dma_wait3A_77] : memref<4x56x128xf32, #tpu.memory_space<vmem>> -> memref<1x56x128xf32, #tpu.memory_space<vmem>>
      %dma_wait3A_79 = tpu.memref_squeeze %dma_wait3A_78 : memref<1x56x128xf32, #tpu.memory_space<vmem>> -> memref<56x128xf32, #tpu.memory_space<vmem>>
      %dma_wait3A_80 = arith.constant 0 : i32
      %dma_wait3A_81 = tpu.memref_slice %arg7[%add3A_62, %dma_wait3A_80] : memref<179x56xi32, #tpu.memory_space<vmem>> -> memref<1x56xi32, #tpu.memory_space<vmem>>
      %dma_wait3A_82 = tpu.memref_squeeze %dma_wait3A_81 : memref<1x56xi32, #tpu.memory_space<vmem>> -> memref<56xi32, #tpu.memory_space<vmem>>
      %dma_wait3A_83 = arith.constant 0 : i32
      %dma_wait3A_84 = arith.constant 0 : i32
      %dma_wait3A_85 = tpu.memref_slice %arg2[%dma_wait3A_83, %dma_wait3A_84] : memref<10000x128xf32, #tpu.memory_space<hbm>> -> memref<10000x128xf32, #tpu.memory_space<hbm>>
      %dma_wait3A_86 = tpu.memref_slice %arg10[%rem3A_63] : memref<4x!tpu.dma_semaphore, #tpu.memory_space<semaphore_mem>> -> memref<1x!tpu.dma_semaphore, #tpu.memory_space<semaphore_mem>>
      %dma_wait3A_87 = tpu.memref_squeeze %dma_wait3A_86 : memref<1x!tpu.dma_semaphore, #tpu.memory_space<semaphore_mem>> -> memref<!tpu.dma_semaphore, #tpu.memory_space<semaphore_mem>>
      tpu.wait_indirect_dma semaphore(%dma_wait3A_87 : memref<!tpu.dma_semaphore, #tpu.memory_space<semaphore_mem>>) src(%dma_wait3A_85 : memref<10000x128xf32, #tpu.memory_space<hbm>>) dst(%dma_wait3A_79 : memref<56x128xf32, #tpu.memory_space<vmem>>)
      "tpu.region"() ({
        %run_scoped3A = tpu.sem_alloc : memref<!tpu.dma_semaphore, #tpu.memory_space<semaphore_mem>>
        %dma_start3A_88 = arith.constant 0 : i32
        %dma_start3A_89 = arith.constant 0 : i32
        %dma_start3A_90 = tpu.memref_slice %arg9[%rem3A_63, %dma_start3A_88, %dma_start3A_89] : memref<4x56x128xf32, #tpu.memory_space<vmem>> -> memref<1x56x128xf32, #tpu.memory_space<vmem>>
        %dma_start3A_91 = tpu.memref_squeeze %dma_start3A_90 : memref<1x56x128xf32, #tpu.memory_space<vmem>> -> memref<56x128xf32, #tpu.memory_space<vmem>>
        %dma_start3A_92 = arith.constant 0 : i32
        %dma_start3A_93 = tpu.memref_slice %arg8[%add3A_62, %dma_start3A_92] : memref<179x56xi32, #tpu.memory_space<vmem>> -> memref<1x56xi32, #tpu.memory_space<vmem>>
        %dma_start3A_94 = tpu.memref_squeeze %dma_start3A_93 : memref<1x56xi32, #tpu.memory_space<vmem>> -> memref<56xi32, #tpu.memory_space<vmem>>
        %dma_start3A_95 = arith.constant 0 : i32
        %dma_start3A_96 = arith.constant 0 : i32
        %dma_start3A_97 = tpu.memref_slice %arg11[%dma_start3A_95, %dma_start3A_96] : memref<10008x128xf32, #tpu.memory_space<vmem_shared>> -> memref<10008x128xf32, #tpu.memory_space<vmem_shared>>
        tpu.enqueue_indirect_dma source(%dma_start3A_91 : memref<56x128xf32, #tpu.memory_space<vmem>>) target(%dma_start3A_97 : memref<10008x128xf32, #tpu.memory_space<vmem_shared>>) offsets(%dma_start3A_94 : memref<56xi32, #tpu.memory_space<vmem>>) semaphore(%run_scoped3A : memref<!tpu.dma_semaphore, #tpu.memory_space<semaphore_mem>>) {add = true}
        %dma_wait3A_98 = arith.constant 0 : i32
        %dma_wait3A_99 = arith.constant 0 : i32
        %dma_wait3A_100 = tpu.memref_slice %arg9[%rem3A_63, %dma_wait3A_98, %dma_wait3A_99] : memref<4x56x128xf32, #tpu.memory_space<vmem>> -> memref<1x56x128xf32, #tpu.memory_space<vmem>>
        %dma_wait3A_101 = tpu.memref_squeeze %dma_wait3A_100 : memref<1x56x128xf32, #tpu.memory_space<vmem>> -> memref<56x128xf32, #tpu.memory_space<vmem>>
        %dma_wait3A_102 = arith.constant 0 : i32
        %dma_wait3A_103 = tpu.memref_slice %arg8[%add3A_62, %dma_wait3A_102] : memref<179x56xi32, #tpu.memory_space<vmem>> -> memref<1x56xi32, #tpu.memory_space<vmem>>
        %dma_wait3A_104 = tpu.memref_squeeze %dma_wait3A_103 : memref<1x56xi32, #tpu.memory_space<vmem>> -> memref<56xi32, #tpu.memory_space<vmem>>
        %dma_wait3A_105 = arith.constant 0 : i32
        %dma_wait3A_106 = arith.constant 0 : i32
        %dma_wait3A_107 = tpu.memref_slice %arg11[%dma_wait3A_105, %dma_wait3A_106] : memref<10008x128xf32, #tpu.memory_space<vmem_shared>> -> memref<10008x128xf32, #tpu.memory_space<vmem_shared>>
        tpu.wait_indirect_dma semaphore(%run_scoped3A : memref<!tpu.dma_semaphore, #tpu.memory_space<semaphore_mem>>) src(%dma_wait3A_101 : memref<56x128xf32, #tpu.memory_space<vmem>>) dst(%dma_wait3A_107 : memref<10008x128xf32, #tpu.memory_space<vmem_shared>>)
        tpu.yield
      }) : () -> ()
    }
    %scan3A_52 = arith.constant 179 : i32
    %barrier3A_53 = arith.constant 0 : index
    tpu.barrier barrier_id(%barrier3A_53)
    %mul3A_54 = arith.constant 625 : i32
    %mul3A_55 = arith.muli %arg1, %mul3A_54 : i32
    %mul3A_56 = arith.constant 625 : i32
    %mul3A_57 = arith.muli %arg1, %mul3A_56 : i32
    "tpu.region"() ({
      %run_scoped3A = tpu.sem_alloc : memref<!tpu.dma_semaphore, #tpu.memory_space<semaphore_mem>>
      %dma_start3A_58 = arith.constant 0 : i32
      %dma_start3A_59 = tpu.memref_slice %arg6[%arg0, %mul3A_57, %dma_start3A_58] : memref<2x10000x128xf32, #tpu.memory_space<hbm>> -> memref<1x625x128xf32, #tpu.memory_space<hbm>>
      %dma_start3A_60 = tpu.memref_squeeze %dma_start3A_59 : memref<1x625x128xf32, #tpu.memory_space<hbm>> -> memref<625x128xf32, #tpu.memory_space<hbm>>
      %dma_start3A_61 = arith.constant 0 : i32
      %dma_start3A_62 = tpu.memref_slice %arg11[%mul3A_55, %dma_start3A_61] : memref<10008x128xf32, #tpu.memory_space<vmem_shared>> -> memref<625x128xf32, #tpu.memory_space<vmem_shared>>
      tpu.enqueue_dma source(%dma_start3A_62 : memref<625x128xf32, #tpu.memory_space<vmem_shared>>) target(%dma_start3A_60 : memref<625x128xf32, #tpu.memory_space<hbm>>) target_semaphore(%run_scoped3A : memref<!tpu.dma_semaphore, #tpu.memory_space<semaphore_mem>>)
      %dma_wait3A = arith.constant 0 : i32
      %dma_wait3A_63 = tpu.memref_slice %arg6[%arg0, %mul3A_57, %dma_wait3A] : memref<2x10000x128xf32, #tpu.memory_space<hbm>> -> memref<1x625x128xf32, #tpu.memory_space<hbm>>
      %dma_wait3A_64 = tpu.memref_squeeze %dma_wait3A_63 : memref<1x625x128xf32, #tpu.memory_space<hbm>> -> memref<625x128xf32, #tpu.memory_space<hbm>>
      %dma_wait3A_65 = arith.constant 0 : i32
      %dma_wait3A_66 = tpu.memref_slice %arg11[%mul3A_55, %dma_wait3A_65] : memref<10008x128xf32, #tpu.memory_space<vmem_shared>> -> memref<625x128xf32, #tpu.memory_space<vmem_shared>>
      tpu.wait_dma2 semaphore(%run_scoped3A : memref<!tpu.dma_semaphore, #tpu.memory_space<semaphore_mem>>) src(%dma_wait3A_66 : memref<625x128xf32, #tpu.memory_space<vmem_shared>>) dst(%dma_wait3A_64 : memref<625x128xf32, #tpu.memory_space<hbm>>)
      tpu.yield
    }) : () -> ()
    return
  }
}

#map = affine_map<(d0, d1) -> (0, 0)>
#map1 = affine_map<(d0, d1) -> (0, 0, 0)>
module attributes {stable_mosaic.version = 14 : i64} {
  func.func @agg(%arg0: i32, %arg1: i32, %arg2: memref<10000x128xf32, #tpu.memory_space<hbm>>, %arg3: memref<32x179x56xi32, #tpu.memory_space<hbm>>, %arg4: memref<32x179x56xi32, #tpu.memory_space<hbm>>, %arg5: memref<625x128xf32, #tpu.memory_space<hbm>>, %arg6: memref<2x10000x128xf32, #tpu.memory_space<hbm>>, %arg7: memref<179x56xi32, #tpu.memory_space<vmem>>, %arg8: memref<179x56xi32, #tpu.memory_space<vmem>>, %arg9: memref<4x56x128xf32, #tpu.memory_space<vmem>>, %arg10: memref<4x!tpu.dma_semaphore, #tpu.memory_space<semaphore_mem>>, %arg11: memref<10008x128xf32, #tpu.memory_space<vmem_shared>>) attributes {dimension_semantics = [#tpu.dimension_semantics<core_parallel>, #tpu.dimension_semantics<subcore_parallel>], iteration_bounds = array<i64: 2, 16>, scalar_prefetch = 0 : i64, scratch_operands = 5 : i64, tpu.core_type = #tpu.core_type<sc_vector_subcore>, window_params = [{transform_indices = #map}, {transform_indices = #map1}, {transform_indices = #map1}, {transform_indices = #map}, {transform_indices = #map1}]} {
    %mul3A = arith.constant 16 : i32
    %mul3A_0 = arith.muli %arg0, %mul3A : i32
    %add3A = arith.addi %mul3A_0, %arg1 : i32
    %mul3A_1 = arith.constant 625 : i32
    %mul3A_2 = arith.muli %arg1, %mul3A_1 : i32
    "tpu.region"() ({
      %run_scoped3A = tpu.sem_alloc : memref<!tpu.dma_semaphore, #tpu.memory_space<semaphore_mem>>
      %dma_start3A_58 = arith.constant 0 : i32
      %dma_start3A_59 = tpu.memref_slice %arg11[%mul3A_2, %dma_start3A_58] : memref<10008x128xf32, #tpu.memory_space<vmem_shared>> -> memref<625x128xf32, #tpu.memory_space<vmem_shared>>
      %dma_start3A_60 = arith.constant 0 : i32
      %dma_start3A_61 = arith.constant 0 : i32
      %dma_start3A_62 = tpu.memref_slice %arg5[%dma_start3A_60, %dma_start3A_61] : memref<625x128xf32, #tpu.memory_space<hbm>> -> memref<625x128xf32, #tpu.memory_space<hbm>>
      tpu.enqueue_dma source(%dma_start3A_62 : memref<625x128xf32, #tpu.memory_space<hbm>>) target(%dma_start3A_59 : memref<625x128xf32, #tpu.memory_space<vmem_shared>>) target_semaphore(%run_scoped3A : memref<!tpu.dma_semaphore, #tpu.memory_space<semaphore_mem>>)
      %dma_wait3A = arith.constant 0 : i32
      %dma_wait3A_63 = tpu.memref_slice %arg11[%mul3A_2, %dma_wait3A] : memref<10008x128xf32, #tpu.memory_space<vmem_shared>> -> memref<625x128xf32, #tpu.memory_space<vmem_shared>>
      %dma_wait3A_64 = arith.constant 0 : i32
      %dma_wait3A_65 = arith.constant 0 : i32
      %dma_wait3A_66 = tpu.memref_slice %arg5[%dma_wait3A_64, %dma_wait3A_65] : memref<625x128xf32, #tpu.memory_space<hbm>> -> memref<625x128xf32, #tpu.memory_space<hbm>>
      tpu.wait_dma2 semaphore(%run_scoped3A : memref<!tpu.dma_semaphore, #tpu.memory_space<semaphore_mem>>) src(%dma_wait3A_66 : memref<625x128xf32, #tpu.memory_space<hbm>>) dst(%dma_wait3A_63 : memref<625x128xf32, #tpu.memory_space<vmem_shared>>)
      tpu.yield
    }) : () -> ()
    %eq3A = arith.constant 0 : i32
    %eq3A_3 = arith.cmpi eq, %arg1, %eq3A : i32
    %convert_element_type3A = arith.extui %eq3A_3 : i1 to i32
    %cond3A = arith.constant 0 : i32
    %cond3A_4 = arith.cmpi ne, %convert_element_type3A, %cond3A : i32
    scf.if %cond3A_4 {
      "tpu.region"() ({
        %run_scoped3A = tpu.sem_alloc : memref<!tpu.dma_semaphore, #tpu.memory_space<semaphore_mem>>
        %dma_start3A_58 = arith.constant 10000 : i32
        %dma_start3A_59 = arith.constant 0 : i32
        %dma_start3A_60 = tpu.memref_slice %arg11[%dma_start3A_58, %dma_start3A_59] : memref<10008x128xf32, #tpu.memory_space<vmem_shared>> -> memref<8x128xf32, #tpu.memory_space<vmem_shared>>
        %dma_start3A_61 = arith.constant 0 : i32
        %dma_start3A_62 = arith.constant 0 : i32
        %dma_start3A_63 = tpu.memref_slice %arg5[%dma_start3A_61, %dma_start3A_62] : memref<625x128xf32, #tpu.memory_space<hbm>> -> memref<8x128xf32, #tpu.memory_space<hbm>>
        tpu.enqueue_dma source(%dma_start3A_63 : memref<8x128xf32, #tpu.memory_space<hbm>>) target(%dma_start3A_60 : memref<8x128xf32, #tpu.memory_space<vmem_shared>>) target_semaphore(%run_scoped3A : memref<!tpu.dma_semaphore, #tpu.memory_space<semaphore_mem>>)
        %dma_wait3A = arith.constant 10000 : i32
        %dma_wait3A_64 = arith.constant 0 : i32
        %dma_wait3A_65 = tpu.memref_slice %arg11[%dma_wait3A, %dma_wait3A_64] : memref<10008x128xf32, #tpu.memory_space<vmem_shared>> -> memref<8x128xf32, #tpu.memory_space<vmem_shared>>
        %dma_wait3A_66 = arith.constant 0 : i32
        %dma_wait3A_67 = arith.constant 0 : i32
        %dma_wait3A_68 = tpu.memref_slice %arg5[%dma_wait3A_66, %dma_wait3A_67] : memref<625x128xf32, #tpu.memory_space<hbm>> -> memref<8x128xf32, #tpu.memory_space<hbm>>
        tpu.wait_dma2 semaphore(%run_scoped3A : memref<!tpu.dma_semaphore, #tpu.memory_space<semaphore_mem>>) src(%dma_wait3A_68 : memref<8x128xf32, #tpu.memory_space<hbm>>) dst(%dma_wait3A_65 : memref<8x128xf32, #tpu.memory_space<vmem_shared>>)
        tpu.yield
      }) : () -> ()
    } else {
    }
    "tpu.region"() ({
      %run_scoped3A = tpu.sem_alloc : memref<!tpu.dma_semaphore, #tpu.memory_space<semaphore_mem>>
      %dma_start3A_58 = arith.constant 0 : i32
      %dma_start3A_59 = arith.constant 0 : i32
      %dma_start3A_60 = tpu.memref_slice %arg3[%add3A, %dma_start3A_58, %dma_start3A_59] : memref<32x179x56xi32, #tpu.memory_space<hbm>> -> memref<1x179x56xi32, #tpu.memory_space<hbm>>
      %dma_start3A_61 = tpu.memref_squeeze %dma_start3A_60 : memref<1x179x56xi32, #tpu.memory_space<hbm>> -> memref<179x56xi32, #tpu.memory_space<hbm>>
      %dma_start3A_62 = arith.constant 0 : i32
      %dma_start3A_63 = arith.constant 0 : i32
      %dma_start3A_64 = tpu.memref_slice %arg3[%add3A, %dma_start3A_62, %dma_start3A_63] : memref<32x179x56xi32, #tpu.memory_space<hbm>> -> memref<1x179x56xi32, #tpu.memory_space<hbm>>
      %dma_start3A_65 = tpu.memref_squeeze %dma_start3A_64 : memref<1x179x56xi32, #tpu.memory_space<hbm>> -> memref<179x56xi32, #tpu.memory_space<hbm>>
      tpu.enqueue_dma source(%dma_start3A_65 : memref<179x56xi32, #tpu.memory_space<hbm>>) target(%arg7 : memref<179x56xi32, #tpu.memory_space<vmem>>) target_semaphore(%run_scoped3A : memref<!tpu.dma_semaphore, #tpu.memory_space<semaphore_mem>>)
      %dma_wait3A = arith.constant 0 : i32
      %dma_wait3A_66 = arith.constant 0 : i32
      %dma_wait3A_67 = tpu.memref_slice %arg3[%add3A, %dma_wait3A, %dma_wait3A_66] : memref<32x179x56xi32, #tpu.memory_space<hbm>> -> memref<1x179x56xi32, #tpu.memory_space<hbm>>
      %dma_wait3A_68 = tpu.memref_squeeze %dma_wait3A_67 : memref<1x179x56xi32, #tpu.memory_space<hbm>> -> memref<179x56xi32, #tpu.memory_space<hbm>>
      %dma_wait3A_69 = arith.constant 0 : i32
      %dma_wait3A_70 = arith.constant 0 : i32
      %dma_wait3A_71 = tpu.memref_slice %arg3[%add3A, %dma_wait3A_69, %dma_wait3A_70] : memref<32x179x56xi32, #tpu.memory_space<hbm>> -> memref<1x179x56xi32, #tpu.memory_space<hbm>>
      %dma_wait3A_72 = tpu.memref_squeeze %dma_wait3A_71 : memref<1x179x56xi32, #tpu.memory_space<hbm>> -> memref<179x56xi32, #tpu.memory_space<hbm>>
      tpu.wait_dma2 semaphore(%run_scoped3A : memref<!tpu.dma_semaphore, #tpu.memory_space<semaphore_mem>>) src(%dma_wait3A_72 : memref<179x56xi32, #tpu.memory_space<hbm>>) dst(%arg7 : memref<179x56xi32, #tpu.memory_space<vmem>>)
      tpu.yield
    }) : () -> ()
    "tpu.region"() ({
      %run_scoped3A = tpu.sem_alloc : memref<!tpu.dma_semaphore, #tpu.memory_space<semaphore_mem>>
      %dma_start3A_58 = arith.constant 0 : i32
      %dma_start3A_59 = arith.constant 0 : i32
      %dma_start3A_60 = tpu.memref_slice %arg4[%add3A, %dma_start3A_58, %dma_start3A_59] : memref<32x179x56xi32, #tpu.memory_space<hbm>> -> memref<1x179x56xi32, #tpu.memory_space<hbm>>
      %dma_start3A_61 = tpu.memref_squeeze %dma_start3A_60 : memref<1x179x56xi32, #tpu.memory_space<hbm>> -> memref<179x56xi32, #tpu.memory_space<hbm>>
      %dma_start3A_62 = arith.constant 0 : i32
      %dma_start3A_63 = arith.constant 0 : i32
      %dma_start3A_64 = tpu.memref_slice %arg4[%add3A, %dma_start3A_62, %dma_start3A_63] : memref<32x179x56xi32, #tpu.memory_space<hbm>> -> memref<1x179x56xi32, #tpu.memory_space<hbm>>
      %dma_start3A_65 = tpu.memref_squeeze %dma_start3A_64 : memref<1x179x56xi32, #tpu.memory_space<hbm>> -> memref<179x56xi32, #tpu.memory_space<hbm>>
      tpu.enqueue_dma source(%dma_start3A_65 : memref<179x56xi32, #tpu.memory_space<hbm>>) target(%arg8 : memref<179x56xi32, #tpu.memory_space<vmem>>) target_semaphore(%run_scoped3A : memref<!tpu.dma_semaphore, #tpu.memory_space<semaphore_mem>>)
      %dma_wait3A = arith.constant 0 : i32
      %dma_wait3A_66 = arith.constant 0 : i32
      %dma_wait3A_67 = tpu.memref_slice %arg4[%add3A, %dma_wait3A, %dma_wait3A_66] : memref<32x179x56xi32, #tpu.memory_space<hbm>> -> memref<1x179x56xi32, #tpu.memory_space<hbm>>
      %dma_wait3A_68 = tpu.memref_squeeze %dma_wait3A_67 : memref<1x179x56xi32, #tpu.memory_space<hbm>> -> memref<179x56xi32, #tpu.memory_space<hbm>>
      %dma_wait3A_69 = arith.constant 0 : i32
      %dma_wait3A_70 = arith.constant 0 : i32
      %dma_wait3A_71 = tpu.memref_slice %arg4[%add3A, %dma_wait3A_69, %dma_wait3A_70] : memref<32x179x56xi32, #tpu.memory_space<hbm>> -> memref<1x179x56xi32, #tpu.memory_space<hbm>>
      %dma_wait3A_72 = tpu.memref_squeeze %dma_wait3A_71 : memref<1x179x56xi32, #tpu.memory_space<hbm>> -> memref<179x56xi32, #tpu.memory_space<hbm>>
      tpu.wait_dma2 semaphore(%run_scoped3A : memref<!tpu.dma_semaphore, #tpu.memory_space<semaphore_mem>>) src(%dma_wait3A_72 : memref<179x56xi32, #tpu.memory_space<hbm>>) dst(%arg8 : memref<179x56xi32, #tpu.memory_space<vmem>>)
      tpu.yield
    }) : () -> ()
    %barrier3A = arith.constant 0 : index
    tpu.barrier barrier_id(%barrier3A)
    %dma_start3A = arith.constant 0 : i32
    %dma_start3A_5 = arith.constant 0 : i32
    %dma_start3A_6 = arith.constant 0 : i32
    %dma_start3A_7 = arith.constant 0 : i32
    %dma_start3A_8 = arith.constant 0 : i32
    %dma_start3A_9 = tpu.memref_slice %arg9[%dma_start3A_5, %dma_start3A_7, %dma_start3A_8] : memref<4x56x128xf32, #tpu.memory_space<vmem>> -> memref<1x56x128xf32, #tpu.memory_space<vmem>>
    %dma_start3A_10 = tpu.memref_squeeze %dma_start3A_9 : memref<1x56x128xf32, #tpu.memory_space<vmem>> -> memref<56x128xf32, #tpu.memory_space<vmem>>
    %dma_start3A_11 = arith.constant 0 : i32
    %dma_start3A_12 = tpu.memref_slice %arg7[%dma_start3A, %dma_start3A_11] : memref<179x56xi32, #tpu.memory_space<vmem>> -> memref<1x56xi32, #tpu.memory_space<vmem>>
    %dma_start3A_13 = tpu.memref_squeeze %dma_start3A_12 : memref<1x56xi32, #tpu.memory_space<vmem>> -> memref<56xi32, #tpu.memory_space<vmem>>
    %dma_start3A_14 = arith.constant 0 : i32
    %dma_start3A_15 = arith.constant 0 : i32
    %dma_start3A_16 = tpu.memref_slice %arg2[%dma_start3A_14, %dma_start3A_15] : memref<10000x128xf32, #tpu.memory_space<hbm>> -> memref<10000x128xf32, #tpu.memory_space<hbm>>
    %dma_start3A_17 = tpu.memref_slice %arg10[%dma_start3A_6] : memref<4x!tpu.dma_semaphore, #tpu.memory_space<semaphore_mem>> -> memref<1x!tpu.dma_semaphore, #tpu.memory_space<semaphore_mem>>
    %dma_start3A_18 = tpu.memref_squeeze %dma_start3A_17 : memref<1x!tpu.dma_semaphore, #tpu.memory_space<semaphore_mem>> -> memref<!tpu.dma_semaphore, #tpu.memory_space<semaphore_mem>>
    tpu.enqueue_indirect_dma source(%dma_start3A_16 : memref<10000x128xf32, #tpu.memory_space<hbm>>) target(%dma_start3A_10 : memref<56x128xf32, #tpu.memory_space<vmem>>) offsets(%dma_start3A_13 : memref<56xi32, #tpu.memory_space<vmem>>) semaphore(%dma_start3A_18 : memref<!tpu.dma_semaphore, #tpu.memory_space<semaphore_mem>>)
    %dma_start3A_19 = arith.constant 1 : i32
    %dma_start3A_20 = arith.constant 1 : i32
    %dma_start3A_21 = arith.constant 1 : i32
    %dma_start3A_22 = arith.constant 0 : i32
    %dma_start3A_23 = arith.constant 0 : i32
    %dma_start3A_24 = tpu.memref_slice %arg9[%dma_start3A_20, %dma_start3A_22, %dma_start3A_23] : memref<4x56x128xf32, #tpu.memory_space<vmem>> -> memref<1x56x128xf32, #tpu.memory_space<vmem>>
    %dma_start3A_25 = tpu.memref_squeeze %dma_start3A_24 : memref<1x56x128xf32, #tpu.memory_space<vmem>> -> memref<56x128xf32, #tpu.memory_space<vmem>>
    %dma_start3A_26 = arith.constant 0 : i32
    %dma_start3A_27 = tpu.memref_slice %arg7[%dma_start3A_19, %dma_start3A_26] : memref<179x56xi32, #tpu.memory_space<vmem>> -> memref<1x56xi32, #tpu.memory_space<vmem>>
    %dma_start3A_28 = tpu.memref_squeeze %dma_start3A_27 : memref<1x56xi32, #tpu.memory_space<vmem>> -> memref<56xi32, #tpu.memory_space<vmem>>
    %dma_start3A_29 = arith.constant 0 : i32
    %dma_start3A_30 = arith.constant 0 : i32
    %dma_start3A_31 = tpu.memref_slice %arg2[%dma_start3A_29, %dma_start3A_30] : memref<10000x128xf32, #tpu.memory_space<hbm>> -> memref<10000x128xf32, #tpu.memory_space<hbm>>
    %dma_start3A_32 = tpu.memref_slice %arg10[%dma_start3A_21] : memref<4x!tpu.dma_semaphore, #tpu.memory_space<semaphore_mem>> -> memref<1x!tpu.dma_semaphore, #tpu.memory_space<semaphore_mem>>
    %dma_start3A_33 = tpu.memref_squeeze %dma_start3A_32 : memref<1x!tpu.dma_semaphore, #tpu.memory_space<semaphore_mem>> -> memref<!tpu.dma_semaphore, #tpu.memory_space<semaphore_mem>>
    tpu.enqueue_indirect_dma source(%dma_start3A_31 : memref<10000x128xf32, #tpu.memory_space<hbm>>) target(%dma_start3A_25 : memref<56x128xf32, #tpu.memory_space<vmem>>) offsets(%dma_start3A_28 : memref<56xi32, #tpu.memory_space<vmem>>) semaphore(%dma_start3A_33 : memref<!tpu.dma_semaphore, #tpu.memory_space<semaphore_mem>>)
    %dma_start3A_34 = arith.constant 2 : i32
    %dma_start3A_35 = arith.constant 2 : i32
    %dma_start3A_36 = arith.constant 2 : i32
    %dma_start3A_37 = arith.constant 0 : i32
    %dma_start3A_38 = arith.constant 0 : i32
    %dma_start3A_39 = tpu.memref_slice %arg9[%dma_start3A_35, %dma_start3A_37, %dma_start3A_38] : memref<4x56x128xf32, #tpu.memory_space<vmem>> -> memref<1x56x128xf32, #tpu.memory_space<vmem>>
    %dma_start3A_40 = tpu.memref_squeeze %dma_start3A_39 : memref<1x56x128xf32, #tpu.memory_space<vmem>> -> memref<56x128xf32, #tpu.memory_space<vmem>>
    %dma_start3A_41 = arith.constant 0 : i32
    %dma_start3A_42 = tpu.memref_slice %arg7[%dma_start3A_34, %dma_start3A_41] : memref<179x56xi32, #tpu.memory_space<vmem>> -> memref<1x56xi32, #tpu.memory_space<vmem>>
    %dma_start3A_43 = tpu.memref_squeeze %dma_start3A_42 : memref<1x56xi32, #tpu.memory_space<vmem>> -> memref<56xi32, #tpu.memory_space<vmem>>
    %dma_start3A_44 = arith.constant 0 : i32
    %dma_start3A_45 = arith.constant 0 : i32
    %dma_start3A_46 = tpu.memref_slice %arg2[%dma_start3A_44, %dma_start3A_45] : memref<10000x128xf32, #tpu.memory_space<hbm>> -> memref<10000x128xf32, #tpu.memory_space<hbm>>
    %dma_start3A_47 = tpu.memref_slice %arg10[%dma_start3A_36] : memref<4x!tpu.dma_semaphore, #tpu.memory_space<semaphore_mem>> -> memref<1x!tpu.dma_semaphore, #tpu.memory_space<semaphore_mem>>
    %dma_start3A_48 = tpu.memref_squeeze %dma_start3A_47 : memref<1x!tpu.dma_semaphore, #tpu.memory_space<semaphore_mem>> -> memref<!tpu.dma_semaphore, #tpu.memory_space<semaphore_mem>>
    tpu.enqueue_indirect_dma source(%dma_start3A_46 : memref<10000x128xf32, #tpu.memory_space<hbm>>) target(%dma_start3A_40 : memref<56x128xf32, #tpu.memory_space<vmem>>) offsets(%dma_start3A_43 : memref<56xi32, #tpu.memory_space<vmem>>) semaphore(%dma_start3A_48 : memref<!tpu.dma_semaphore, #tpu.memory_space<semaphore_mem>>)
    %scan3A = arith.constant 0 : i32
    %scan3A_49 = arith.constant 179 : i32
    %scan3A_50 = arith.addi %scan3A, %scan3A_49 : i32
    %scan3A_51 = arith.constant 1 : i32
    scf.for %scan3A_58 = %scan3A to %scan3A_50 step %scan3A_51  : i32 {
      %mul3A_59 = arith.constant 1 : i32
      %mul3A_60 = arith.muli %scan3A_58, %mul3A_59 : i32
      %add3A_61 = arith.constant 0 : i32
      %add3A_62 = arith.addi %add3A_61, %mul3A_60 : i32
      %rem3A = arith.constant 4 : i32
      %rem3A_63 = arith.remsi %add3A_62, %rem3A : i32
      %add3A_64 = arith.constant 4 : i32
      %add3A_65 = arith.addi %add3A_62, %add3A_64 : i32
      %sub3A = arith.constant 1 : i32
      %sub3A_66 = arith.subi %add3A_65, %sub3A : i32
      %rem3A_67 = arith.constant 4 : i32
      %rem3A_68 = arith.remsi %sub3A_66, %rem3A_67 : i32
      %add3A_69 = arith.constant 4 : i32
      %add3A_70 = arith.addi %add3A_62, %add3A_69 : i32
      %sub3A_71 = arith.constant 1 : i32
      %sub3A_72 = arith.subi %add3A_70, %sub3A_71 : i32
      %lt3A = arith.constant 179 : i32
      %lt3A_73 = arith.cmpi slt, %sub3A_72, %lt3A : i32
      %convert_element_type3A_74 = arith.extui %lt3A_73 : i1 to i32
      %cond3A_75 = arith.constant 0 : i32
      %cond3A_76 = arith.cmpi ne, %convert_element_type3A_74, %cond3A_75 : i32
      scf.if %cond3A_76 {
        %add3A_88 = arith.constant 4 : i32
        %add3A_89 = arith.addi %add3A_62, %add3A_88 : i32
        %sub3A_90 = arith.constant 1 : i32
        %sub3A_91 = arith.subi %add3A_89, %sub3A_90 : i32
        %dma_start3A_92 = arith.constant 0 : i32
        %dma_start3A_93 = arith.constant 0 : i32
        %dma_start3A_94 = tpu.memref_slice %arg9[%rem3A_68, %dma_start3A_92, %dma_start3A_93] : memref<4x56x128xf32, #tpu.memory_space<vmem>> -> memref<1x56x128xf32, #tpu.memory_space<vmem>>
        %dma_start3A_95 = tpu.memref_squeeze %dma_start3A_94 : memref<1x56x128xf32, #tpu.memory_space<vmem>> -> memref<56x128xf32, #tpu.memory_space<vmem>>
        %dma_start3A_96 = arith.constant 0 : i32
        %dma_start3A_97 = tpu.memref_slice %arg7[%sub3A_91, %dma_start3A_96] : memref<179x56xi32, #tpu.memory_space<vmem>> -> memref<1x56xi32, #tpu.memory_space<vmem>>
        %dma_start3A_98 = tpu.memref_squeeze %dma_start3A_97 : memref<1x56xi32, #tpu.memory_space<vmem>> -> memref<56xi32, #tpu.memory_space<vmem>>
        %dma_start3A_99 = arith.constant 0 : i32
        %dma_start3A_100 = arith.constant 0 : i32
        %dma_start3A_101 = tpu.memref_slice %arg2[%dma_start3A_99, %dma_start3A_100] : memref<10000x128xf32, #tpu.memory_space<hbm>> -> memref<10000x128xf32, #tpu.memory_space<hbm>>
        %dma_start3A_102 = tpu.memref_slice %arg10[%rem3A_68] : memref<4x!tpu.dma_semaphore, #tpu.memory_space<semaphore_mem>> -> memref<1x!tpu.dma_semaphore, #tpu.memory_space<semaphore_mem>>
        %dma_start3A_103 = tpu.memref_squeeze %dma_start3A_102 : memref<1x!tpu.dma_semaphore, #tpu.memory_space<semaphore_mem>> -> memref<!tpu.dma_semaphore, #tpu.memory_space<semaphore_mem>>
        tpu.enqueue_indirect_dma source(%dma_start3A_101 : memref<10000x128xf32, #tpu.memory_space<hbm>>) target(%dma_start3A_95 : memref<56x128xf32, #tpu.memory_space<vmem>>) offsets(%dma_start3A_98 : memref<56xi32, #tpu.memory_space<vmem>>) semaphore(%dma_start3A_103 : memref<!tpu.dma_semaphore, #tpu.memory_space<semaphore_mem>>)
      } else {
      }
      %dma_wait3A = arith.constant 0 : i32
      %dma_wait3A_77 = arith.constant 0 : i32
      %dma_wait3A_78 = tpu.memref_slice %arg9[%rem3A_63, %dma_wait3A, %dma_wait3A_77] : memref<4x56x128xf32, #tpu.memory_space<vmem>> -> memref<1x56x128xf32, #tpu.memory_space<vmem>>
      %dma_wait3A_79 = tpu.memref_squeeze %dma_wait3A_78 : memref<1x56x128xf32, #tpu.memory_space<vmem>> -> memref<56x128xf32, #tpu.memory_space<vmem>>
      %dma_wait3A_80 = arith.constant 0 : i32
      %dma_wait3A_81 = tpu.memref_slice %arg7[%add3A_62, %dma_wait3A_80] : memref<179x56xi32, #tpu.memory_space<vmem>> -> memref<1x56xi32, #tpu.memory_space<vmem>>
      %dma_wait3A_82 = tpu.memref_squeeze %dma_wait3A_81 : memref<1x56xi32, #tpu.memory_space<vmem>> -> memref<56xi32, #tpu.memory_space<vmem>>
      %dma_wait3A_83 = arith.constant 0 : i32
      %dma_wait3A_84 = arith.constant 0 : i32
      %dma_wait3A_85 = tpu.memref_slice %arg2[%dma_wait3A_83, %dma_wait3A_84] : memref<10000x128xf32, #tpu.memory_space<hbm>> -> memref<10000x128xf32, #tpu.memory_space<hbm>>
      %dma_wait3A_86 = tpu.memref_slice %arg10[%rem3A_63] : memref<4x!tpu.dma_semaphore, #tpu.memory_space<semaphore_mem>> -> memref<1x!tpu.dma_semaphore, #tpu.memory_space<semaphore_mem>>
      %dma_wait3A_87 = tpu.memref_squeeze %dma_wait3A_86 : memref<1x!tpu.dma_semaphore, #tpu.memory_space<semaphore_mem>> -> memref<!tpu.dma_semaphore, #tpu.memory_space<semaphore_mem>>
      tpu.wait_indirect_dma semaphore(%dma_wait3A_87 : memref<!tpu.dma_semaphore, #tpu.memory_space<semaphore_mem>>) src(%dma_wait3A_85 : memref<10000x128xf32, #tpu.memory_space<hbm>>) dst(%dma_wait3A_79 : memref<56x128xf32, #tpu.memory_space<vmem>>)
      "tpu.region"() ({
        %run_scoped3A = tpu.sem_alloc : memref<!tpu.dma_semaphore, #tpu.memory_space<semaphore_mem>>
        %dma_start3A_88 = arith.constant 0 : i32
        %dma_start3A_89 = arith.constant 0 : i32
        %dma_start3A_90 = tpu.memref_slice %arg9[%rem3A_63, %dma_start3A_88, %dma_start3A_89] : memref<4x56x128xf32, #tpu.memory_space<vmem>> -> memref<1x56x128xf32, #tpu.memory_space<vmem>>
        %dma_start3A_91 = tpu.memref_squeeze %dma_start3A_90 : memref<1x56x128xf32, #tpu.memory_space<vmem>> -> memref<56x128xf32, #tpu.memory_space<vmem>>
        %dma_start3A_92 = arith.constant 0 : i32
        %dma_start3A_93 = tpu.memref_slice %arg8[%add3A_62, %dma_start3A_92] : memref<179x56xi32, #tpu.memory_space<vmem>> -> memref<1x56xi32, #tpu.memory_space<vmem>>
        %dma_start3A_94 = tpu.memref_squeeze %dma_start3A_93 : memref<1x56xi32, #tpu.memory_space<vmem>> -> memref<56xi32, #tpu.memory_space<vmem>>
        %dma_start3A_95 = arith.constant 0 : i32
        %dma_start3A_96 = arith.constant 0 : i32
        %dma_start3A_97 = tpu.memref_slice %arg11[%dma_start3A_95, %dma_start3A_96] : memref<10008x128xf32, #tpu.memory_space<vmem_shared>> -> memref<10008x128xf32, #tpu.memory_space<vmem_shared>>
        tpu.enqueue_indirect_dma source(%dma_start3A_91 : memref<56x128xf32, #tpu.memory_space<vmem>>) target(%dma_start3A_97 : memref<10008x128xf32, #tpu.memory_space<vmem_shared>>) offsets(%dma_start3A_94 : memref<56xi32, #tpu.memory_space<vmem>>) semaphore(%run_scoped3A : memref<!tpu.dma_semaphore, #tpu.memory_space<semaphore_mem>>) {add = true}
        %dma_wait3A_98 = arith.constant 0 : i32
        %dma_wait3A_99 = arith.constant 0 : i32
        %dma_wait3A_100 = tpu.memref_slice %arg9[%rem3A_63, %dma_wait3A_98, %dma_wait3A_99] : memref<4x56x128xf32, #tpu.memory_space<vmem>> -> memref<1x56x128xf32, #tpu.memory_space<vmem>>
        %dma_wait3A_101 = tpu.memref_squeeze %dma_wait3A_100 : memref<1x56x128xf32, #tpu.memory_space<vmem>> -> memref<56x128xf32, #tpu.memory_space<vmem>>
        %dma_wait3A_102 = arith.constant 0 : i32
        %dma_wait3A_103 = tpu.memref_slice %arg8[%add3A_62, %dma_wait3A_102] : memref<179x56xi32, #tpu.memory_space<vmem>> -> memref<1x56xi32, #tpu.memory_space<vmem>>
        %dma_wait3A_104 = tpu.memref_squeeze %dma_wait3A_103 : memref<1x56xi32, #tpu.memory_space<vmem>> -> memref<56xi32, #tpu.memory_space<vmem>>
        %dma_wait3A_105 = arith.constant 0 : i32
        %dma_wait3A_106 = arith.constant 0 : i32
        %dma_wait3A_107 = tpu.memref_slice %arg11[%dma_wait3A_105, %dma_wait3A_106] : memref<10008x128xf32, #tpu.memory_space<vmem_shared>> -> memref<10008x128xf32, #tpu.memory_space<vmem_shared>>
        tpu.wait_indirect_dma semaphore(%run_scoped3A : memref<!tpu.dma_semaphore, #tpu.memory_space<semaphore_mem>>) src(%dma_wait3A_101 : memref<56x128xf32, #tpu.memory_space<vmem>>) dst(%dma_wait3A_107 : memref<10008x128xf32, #tpu.memory_space<vmem_shared>>)
        tpu.yield
      }) : () -> ()
    }
    %scan3A_52 = arith.constant 179 : i32
    %barrier3A_53 = arith.constant 0 : index
    tpu.barrier barrier_id(%barrier3A_53)
    %mul3A_54 = arith.constant 625 : i32
    %mul3A_55 = arith.muli %arg1, %mul3A_54 : i32
    %mul3A_56 = arith.constant 625 : i32
    %mul3A_57 = arith.muli %arg1, %mul3A_56 : i32
    "tpu.region"() ({
      %run_scoped3A = tpu.sem_alloc : memref<!tpu.dma_semaphore, #tpu.memory_space<semaphore_mem>>
      %dma_start3A_58 = arith.constant 0 : i32
      %dma_start3A_59 = tpu.memref_slice %arg6[%arg0, %mul3A_57, %dma_start3A_58] : memref<2x10000x128xf32, #tpu.memory_space<hbm>> -> memref<1x625x128xf32, #tpu.memory_space<hbm>>
      %dma_start3A_60 = tpu.memref_squeeze %dma_start3A_59 : memref<1x625x128xf32, #tpu.memory_space<hbm>> -> memref<625x128xf32, #tpu.memory_space<hbm>>
      %dma_start3A_61 = arith.constant 0 : i32
      %dma_start3A_62 = tpu.memref_slice %arg11[%mul3A_55, %dma_start3A_61] : memref<10008x128xf32, #tpu.memory_space<vmem_shared>> -> memref<625x128xf32, #tpu.memory_space<vmem_shared>>
      tpu.enqueue_dma source(%dma_start3A_62 : memref<625x128xf32, #tpu.memory_space<vmem_shared>>) target(%dma_start3A_60 : memref<625x128xf32, #tpu.memory_space<hbm>>) target_semaphore(%run_scoped3A : memref<!tpu.dma_semaphore, #tpu.memory_space<semaphore_mem>>)
      %dma_wait3A = arith.constant 0 : i32
      %dma_wait3A_63 = tpu.memref_slice %arg6[%arg0, %mul3A_57, %dma_wait3A] : memref<2x10000x128xf32, #tpu.memory_space<hbm>> -> memref<1x625x128xf32, #tpu.memory_space<hbm>>
      %dma_wait3A_64 = tpu.memref_squeeze %dma_wait3A_63 : memref<1x625x128xf32, #tpu.memory_space<hbm>> -> memref<625x128xf32, #tpu.memory_space<hbm>>
      %dma_wait3A_65 = arith.constant 0 : i32
      %dma_wait3A_66 = tpu.memref_slice %arg11[%mul3A_55, %dma_wait3A_65] : memref<10008x128xf32, #tpu.memory_space<vmem_shared>> -> memref<625x128xf32, #tpu.memory_space<vmem_shared>>
      tpu.wait_dma2 semaphore(%run_scoped3A : memref<!tpu.dma_semaphore, #tpu.memory_space<semaphore_mem>>) src(%dma_wait3A_66 : memref<625x128xf32, #tpu.memory_space<vmem_shared>>) dst(%dma_wait3A_64 : memref<625x128xf32, #tpu.memory_space<hbm>>)
      tpu.yield
    }) : () -> ()
    return
  }
}

#map = affine_map<(d0, d1) -> (0, 0)>
#map1 = affine_map<(d0, d1) -> (0, 0, 0)>
module attributes {stable_mosaic.version = 14 : i64} {
  func.func @agg(%arg0: i32, %arg1: i32, %arg2: memref<10000x144xf32, #tpu.memory_space<hbm>>, %arg3: memref<32x313x32xi32, #tpu.memory_space<hbm>>, %arg4: memref<32x313x32xi32, #tpu.memory_space<hbm>>, %arg5: memref<625x144xf32, #tpu.memory_space<hbm>>, %arg6: memref<2x10000x144xf32, #tpu.memory_space<hbm>>, %arg7: memref<313x32xi32, #tpu.memory_space<vmem>>, %arg8: memref<313x32xi32, #tpu.memory_space<vmem>>, %arg9: memref<4x32x144xf32, #tpu.memory_space<vmem>>, %arg10: memref<4x!tpu.dma_semaphore, #tpu.memory_space<semaphore_mem>>, %arg11: memref<10008x144xf32, #tpu.memory_space<vmem_shared>>) attributes {dimension_semantics = [#tpu.dimension_semantics<core_parallel>, #tpu.dimension_semantics<subcore_parallel>], iteration_bounds = array<i64: 2, 16>, scalar_prefetch = 0 : i64, scratch_operands = 5 : i64, tpu.core_type = #tpu.core_type<sc_vector_subcore>, window_params = [{transform_indices = #map}, {transform_indices = #map1}, {transform_indices = #map1}, {transform_indices = #map}, {transform_indices = #map1}]} {
    %mul3A = arith.constant 16 : i32
    %mul3A_0 = arith.muli %arg0, %mul3A : i32
    %add3A = arith.addi %mul3A_0, %arg1 : i32
    %mul3A_1 = arith.constant 625 : i32
    %mul3A_2 = arith.muli %arg1, %mul3A_1 : i32
    "tpu.region"() ({
      %run_scoped3A = tpu.sem_alloc : memref<!tpu.dma_semaphore, #tpu.memory_space<semaphore_mem>>
      %dma_start3A_58 = arith.constant 0 : i32
      %dma_start3A_59 = tpu.memref_slice %arg11[%mul3A_2, %dma_start3A_58] : memref<10008x144xf32, #tpu.memory_space<vmem_shared>> -> memref<625x144xf32, #tpu.memory_space<vmem_shared>>
      %dma_start3A_60 = arith.constant 0 : i32
      %dma_start3A_61 = arith.constant 0 : i32
      %dma_start3A_62 = tpu.memref_slice %arg5[%dma_start3A_60, %dma_start3A_61] : memref<625x144xf32, #tpu.memory_space<hbm>> -> memref<625x144xf32, #tpu.memory_space<hbm>>
      tpu.enqueue_dma source(%dma_start3A_62 : memref<625x144xf32, #tpu.memory_space<hbm>>) target(%dma_start3A_59 : memref<625x144xf32, #tpu.memory_space<vmem_shared>>) target_semaphore(%run_scoped3A : memref<!tpu.dma_semaphore, #tpu.memory_space<semaphore_mem>>)
      %dma_wait3A = arith.constant 0 : i32
      %dma_wait3A_63 = tpu.memref_slice %arg11[%mul3A_2, %dma_wait3A] : memref<10008x144xf32, #tpu.memory_space<vmem_shared>> -> memref<625x144xf32, #tpu.memory_space<vmem_shared>>
      %dma_wait3A_64 = arith.constant 0 : i32
      %dma_wait3A_65 = arith.constant 0 : i32
      %dma_wait3A_66 = tpu.memref_slice %arg5[%dma_wait3A_64, %dma_wait3A_65] : memref<625x144xf32, #tpu.memory_space<hbm>> -> memref<625x144xf32, #tpu.memory_space<hbm>>
      tpu.wait_dma2 semaphore(%run_scoped3A : memref<!tpu.dma_semaphore, #tpu.memory_space<semaphore_mem>>) src(%dma_wait3A_66 : memref<625x144xf32, #tpu.memory_space<hbm>>) dst(%dma_wait3A_63 : memref<625x144xf32, #tpu.memory_space<vmem_shared>>)
      tpu.yield
    }) : () -> ()
    %eq3A = arith.constant 0 : i32
    %eq3A_3 = arith.cmpi eq, %arg1, %eq3A : i32
    %convert_element_type3A = arith.extui %eq3A_3 : i1 to i32
    %cond3A = arith.constant 0 : i32
    %cond3A_4 = arith.cmpi ne, %convert_element_type3A, %cond3A : i32
    scf.if %cond3A_4 {
      "tpu.region"() ({
        %run_scoped3A = tpu.sem_alloc : memref<!tpu.dma_semaphore, #tpu.memory_space<semaphore_mem>>
        %dma_start3A_58 = arith.constant 10000 : i32
        %dma_start3A_59 = arith.constant 0 : i32
        %dma_start3A_60 = tpu.memref_slice %arg11[%dma_start3A_58, %dma_start3A_59] : memref<10008x144xf32, #tpu.memory_space<vmem_shared>> -> memref<8x144xf32, #tpu.memory_space<vmem_shared>>
        %dma_start3A_61 = arith.constant 0 : i32
        %dma_start3A_62 = arith.constant 0 : i32
        %dma_start3A_63 = tpu.memref_slice %arg5[%dma_start3A_61, %dma_start3A_62] : memref<625x144xf32, #tpu.memory_space<hbm>> -> memref<8x144xf32, #tpu.memory_space<hbm>>
        tpu.enqueue_dma source(%dma_start3A_63 : memref<8x144xf32, #tpu.memory_space<hbm>>) target(%dma_start3A_60 : memref<8x144xf32, #tpu.memory_space<vmem_shared>>) target_semaphore(%run_scoped3A : memref<!tpu.dma_semaphore, #tpu.memory_space<semaphore_mem>>)
        %dma_wait3A = arith.constant 10000 : i32
        %dma_wait3A_64 = arith.constant 0 : i32
        %dma_wait3A_65 = tpu.memref_slice %arg11[%dma_wait3A, %dma_wait3A_64] : memref<10008x144xf32, #tpu.memory_space<vmem_shared>> -> memref<8x144xf32, #tpu.memory_space<vmem_shared>>
        %dma_wait3A_66 = arith.constant 0 : i32
        %dma_wait3A_67 = arith.constant 0 : i32
        %dma_wait3A_68 = tpu.memref_slice %arg5[%dma_wait3A_66, %dma_wait3A_67] : memref<625x144xf32, #tpu.memory_space<hbm>> -> memref<8x144xf32, #tpu.memory_space<hbm>>
        tpu.wait_dma2 semaphore(%run_scoped3A : memref<!tpu.dma_semaphore, #tpu.memory_space<semaphore_mem>>) src(%dma_wait3A_68 : memref<8x144xf32, #tpu.memory_space<hbm>>) dst(%dma_wait3A_65 : memref<8x144xf32, #tpu.memory_space<vmem_shared>>)
        tpu.yield
      }) : () -> ()
    } else {
    }
    "tpu.region"() ({
      %run_scoped3A = tpu.sem_alloc : memref<!tpu.dma_semaphore, #tpu.memory_space<semaphore_mem>>
      %dma_start3A_58 = arith.constant 0 : i32
      %dma_start3A_59 = arith.constant 0 : i32
      %dma_start3A_60 = tpu.memref_slice %arg3[%add3A, %dma_start3A_58, %dma_start3A_59] : memref<32x313x32xi32, #tpu.memory_space<hbm>> -> memref<1x313x32xi32, #tpu.memory_space<hbm>>
      %dma_start3A_61 = tpu.memref_squeeze %dma_start3A_60 : memref<1x313x32xi32, #tpu.memory_space<hbm>> -> memref<313x32xi32, #tpu.memory_space<hbm>>
      %dma_start3A_62 = arith.constant 0 : i32
      %dma_start3A_63 = arith.constant 0 : i32
      %dma_start3A_64 = tpu.memref_slice %arg3[%add3A, %dma_start3A_62, %dma_start3A_63] : memref<32x313x32xi32, #tpu.memory_space<hbm>> -> memref<1x313x32xi32, #tpu.memory_space<hbm>>
      %dma_start3A_65 = tpu.memref_squeeze %dma_start3A_64 : memref<1x313x32xi32, #tpu.memory_space<hbm>> -> memref<313x32xi32, #tpu.memory_space<hbm>>
      tpu.enqueue_dma source(%dma_start3A_65 : memref<313x32xi32, #tpu.memory_space<hbm>>) target(%arg7 : memref<313x32xi32, #tpu.memory_space<vmem>>) target_semaphore(%run_scoped3A : memref<!tpu.dma_semaphore, #tpu.memory_space<semaphore_mem>>)
      %dma_wait3A = arith.constant 0 : i32
      %dma_wait3A_66 = arith.constant 0 : i32
      %dma_wait3A_67 = tpu.memref_slice %arg3[%add3A, %dma_wait3A, %dma_wait3A_66] : memref<32x313x32xi32, #tpu.memory_space<hbm>> -> memref<1x313x32xi32, #tpu.memory_space<hbm>>
      %dma_wait3A_68 = tpu.memref_squeeze %dma_wait3A_67 : memref<1x313x32xi32, #tpu.memory_space<hbm>> -> memref<313x32xi32, #tpu.memory_space<hbm>>
      %dma_wait3A_69 = arith.constant 0 : i32
      %dma_wait3A_70 = arith.constant 0 : i32
      %dma_wait3A_71 = tpu.memref_slice %arg3[%add3A, %dma_wait3A_69, %dma_wait3A_70] : memref<32x313x32xi32, #tpu.memory_space<hbm>> -> memref<1x313x32xi32, #tpu.memory_space<hbm>>
      %dma_wait3A_72 = tpu.memref_squeeze %dma_wait3A_71 : memref<1x313x32xi32, #tpu.memory_space<hbm>> -> memref<313x32xi32, #tpu.memory_space<hbm>>
      tpu.wait_dma2 semaphore(%run_scoped3A : memref<!tpu.dma_semaphore, #tpu.memory_space<semaphore_mem>>) src(%dma_wait3A_72 : memref<313x32xi32, #tpu.memory_space<hbm>>) dst(%arg7 : memref<313x32xi32, #tpu.memory_space<vmem>>)
      tpu.yield
    }) : () -> ()
    "tpu.region"() ({
      %run_scoped3A = tpu.sem_alloc : memref<!tpu.dma_semaphore, #tpu.memory_space<semaphore_mem>>
      %dma_start3A_58 = arith.constant 0 : i32
      %dma_start3A_59 = arith.constant 0 : i32
      %dma_start3A_60 = tpu.memref_slice %arg4[%add3A, %dma_start3A_58, %dma_start3A_59] : memref<32x313x32xi32, #tpu.memory_space<hbm>> -> memref<1x313x32xi32, #tpu.memory_space<hbm>>
      %dma_start3A_61 = tpu.memref_squeeze %dma_start3A_60 : memref<1x313x32xi32, #tpu.memory_space<hbm>> -> memref<313x32xi32, #tpu.memory_space<hbm>>
      %dma_start3A_62 = arith.constant 0 : i32
      %dma_start3A_63 = arith.constant 0 : i32
      %dma_start3A_64 = tpu.memref_slice %arg4[%add3A, %dma_start3A_62, %dma_start3A_63] : memref<32x313x32xi32, #tpu.memory_space<hbm>> -> memref<1x313x32xi32, #tpu.memory_space<hbm>>
      %dma_start3A_65 = tpu.memref_squeeze %dma_start3A_64 : memref<1x313x32xi32, #tpu.memory_space<hbm>> -> memref<313x32xi32, #tpu.memory_space<hbm>>
      tpu.enqueue_dma source(%dma_start3A_65 : memref<313x32xi32, #tpu.memory_space<hbm>>) target(%arg8 : memref<313x32xi32, #tpu.memory_space<vmem>>) target_semaphore(%run_scoped3A : memref<!tpu.dma_semaphore, #tpu.memory_space<semaphore_mem>>)
      %dma_wait3A = arith.constant 0 : i32
      %dma_wait3A_66 = arith.constant 0 : i32
      %dma_wait3A_67 = tpu.memref_slice %arg4[%add3A, %dma_wait3A, %dma_wait3A_66] : memref<32x313x32xi32, #tpu.memory_space<hbm>> -> memref<1x313x32xi32, #tpu.memory_space<hbm>>
      %dma_wait3A_68 = tpu.memref_squeeze %dma_wait3A_67 : memref<1x313x32xi32, #tpu.memory_space<hbm>> -> memref<313x32xi32, #tpu.memory_space<hbm>>
      %dma_wait3A_69 = arith.constant 0 : i32
      %dma_wait3A_70 = arith.constant 0 : i32
      %dma_wait3A_71 = tpu.memref_slice %arg4[%add3A, %dma_wait3A_69, %dma_wait3A_70] : memref<32x313x32xi32, #tpu.memory_space<hbm>> -> memref<1x313x32xi32, #tpu.memory_space<hbm>>
      %dma_wait3A_72 = tpu.memref_squeeze %dma_wait3A_71 : memref<1x313x32xi32, #tpu.memory_space<hbm>> -> memref<313x32xi32, #tpu.memory_space<hbm>>
      tpu.wait_dma2 semaphore(%run_scoped3A : memref<!tpu.dma_semaphore, #tpu.memory_space<semaphore_mem>>) src(%dma_wait3A_72 : memref<313x32xi32, #tpu.memory_space<hbm>>) dst(%arg8 : memref<313x32xi32, #tpu.memory_space<vmem>>)
      tpu.yield
    }) : () -> ()
    %barrier3A = arith.constant 0 : index
    tpu.barrier barrier_id(%barrier3A)
    %dma_start3A = arith.constant 0 : i32
    %dma_start3A_5 = arith.constant 0 : i32
    %dma_start3A_6 = arith.constant 0 : i32
    %dma_start3A_7 = arith.constant 0 : i32
    %dma_start3A_8 = arith.constant 0 : i32
    %dma_start3A_9 = tpu.memref_slice %arg9[%dma_start3A_5, %dma_start3A_7, %dma_start3A_8] : memref<4x32x144xf32, #tpu.memory_space<vmem>> -> memref<1x32x144xf32, #tpu.memory_space<vmem>>
    %dma_start3A_10 = tpu.memref_squeeze %dma_start3A_9 : memref<1x32x144xf32, #tpu.memory_space<vmem>> -> memref<32x144xf32, #tpu.memory_space<vmem>>
    %dma_start3A_11 = arith.constant 0 : i32
    %dma_start3A_12 = tpu.memref_slice %arg7[%dma_start3A, %dma_start3A_11] : memref<313x32xi32, #tpu.memory_space<vmem>> -> memref<1x32xi32, #tpu.memory_space<vmem>>
    %dma_start3A_13 = tpu.memref_squeeze %dma_start3A_12 : memref<1x32xi32, #tpu.memory_space<vmem>> -> memref<32xi32, #tpu.memory_space<vmem>>
    %dma_start3A_14 = arith.constant 0 : i32
    %dma_start3A_15 = arith.constant 0 : i32
    %dma_start3A_16 = tpu.memref_slice %arg2[%dma_start3A_14, %dma_start3A_15] : memref<10000x144xf32, #tpu.memory_space<hbm>> -> memref<10000x144xf32, #tpu.memory_space<hbm>>
    %dma_start3A_17 = tpu.memref_slice %arg10[%dma_start3A_6] : memref<4x!tpu.dma_semaphore, #tpu.memory_space<semaphore_mem>> -> memref<1x!tpu.dma_semaphore, #tpu.memory_space<semaphore_mem>>
    %dma_start3A_18 = tpu.memref_squeeze %dma_start3A_17 : memref<1x!tpu.dma_semaphore, #tpu.memory_space<semaphore_mem>> -> memref<!tpu.dma_semaphore, #tpu.memory_space<semaphore_mem>>
    tpu.enqueue_indirect_dma source(%dma_start3A_16 : memref<10000x144xf32, #tpu.memory_space<hbm>>) target(%dma_start3A_10 : memref<32x144xf32, #tpu.memory_space<vmem>>) offsets(%dma_start3A_13 : memref<32xi32, #tpu.memory_space<vmem>>) semaphore(%dma_start3A_18 : memref<!tpu.dma_semaphore, #tpu.memory_space<semaphore_mem>>)
    %dma_start3A_19 = arith.constant 1 : i32
    %dma_start3A_20 = arith.constant 1 : i32
    %dma_start3A_21 = arith.constant 1 : i32
    %dma_start3A_22 = arith.constant 0 : i32
    %dma_start3A_23 = arith.constant 0 : i32
    %dma_start3A_24 = tpu.memref_slice %arg9[%dma_start3A_20, %dma_start3A_22, %dma_start3A_23] : memref<4x32x144xf32, #tpu.memory_space<vmem>> -> memref<1x32x144xf32, #tpu.memory_space<vmem>>
    %dma_start3A_25 = tpu.memref_squeeze %dma_start3A_24 : memref<1x32x144xf32, #tpu.memory_space<vmem>> -> memref<32x144xf32, #tpu.memory_space<vmem>>
    %dma_start3A_26 = arith.constant 0 : i32
    %dma_start3A_27 = tpu.memref_slice %arg7[%dma_start3A_19, %dma_start3A_26] : memref<313x32xi32, #tpu.memory_space<vmem>> -> memref<1x32xi32, #tpu.memory_space<vmem>>
    %dma_start3A_28 = tpu.memref_squeeze %dma_start3A_27 : memref<1x32xi32, #tpu.memory_space<vmem>> -> memref<32xi32, #tpu.memory_space<vmem>>
    %dma_start3A_29 = arith.constant 0 : i32
    %dma_start3A_30 = arith.constant 0 : i32
    %dma_start3A_31 = tpu.memref_slice %arg2[%dma_start3A_29, %dma_start3A_30] : memref<10000x144xf32, #tpu.memory_space<hbm>> -> memref<10000x144xf32, #tpu.memory_space<hbm>>
    %dma_start3A_32 = tpu.memref_slice %arg10[%dma_start3A_21] : memref<4x!tpu.dma_semaphore, #tpu.memory_space<semaphore_mem>> -> memref<1x!tpu.dma_semaphore, #tpu.memory_space<semaphore_mem>>
    %dma_start3A_33 = tpu.memref_squeeze %dma_start3A_32 : memref<1x!tpu.dma_semaphore, #tpu.memory_space<semaphore_mem>> -> memref<!tpu.dma_semaphore, #tpu.memory_space<semaphore_mem>>
    tpu.enqueue_indirect_dma source(%dma_start3A_31 : memref<10000x144xf32, #tpu.memory_space<hbm>>) target(%dma_start3A_25 : memref<32x144xf32, #tpu.memory_space<vmem>>) offsets(%dma_start3A_28 : memref<32xi32, #tpu.memory_space<vmem>>) semaphore(%dma_start3A_33 : memref<!tpu.dma_semaphore, #tpu.memory_space<semaphore_mem>>)
    %dma_start3A_34 = arith.constant 2 : i32
    %dma_start3A_35 = arith.constant 2 : i32
    %dma_start3A_36 = arith.constant 2 : i32
    %dma_start3A_37 = arith.constant 0 : i32
    %dma_start3A_38 = arith.constant 0 : i32
    %dma_start3A_39 = tpu.memref_slice %arg9[%dma_start3A_35, %dma_start3A_37, %dma_start3A_38] : memref<4x32x144xf32, #tpu.memory_space<vmem>> -> memref<1x32x144xf32, #tpu.memory_space<vmem>>
    %dma_start3A_40 = tpu.memref_squeeze %dma_start3A_39 : memref<1x32x144xf32, #tpu.memory_space<vmem>> -> memref<32x144xf32, #tpu.memory_space<vmem>>
    %dma_start3A_41 = arith.constant 0 : i32
    %dma_start3A_42 = tpu.memref_slice %arg7[%dma_start3A_34, %dma_start3A_41] : memref<313x32xi32, #tpu.memory_space<vmem>> -> memref<1x32xi32, #tpu.memory_space<vmem>>
    %dma_start3A_43 = tpu.memref_squeeze %dma_start3A_42 : memref<1x32xi32, #tpu.memory_space<vmem>> -> memref<32xi32, #tpu.memory_space<vmem>>
    %dma_start3A_44 = arith.constant 0 : i32
    %dma_start3A_45 = arith.constant 0 : i32
    %dma_start3A_46 = tpu.memref_slice %arg2[%dma_start3A_44, %dma_start3A_45] : memref<10000x144xf32, #tpu.memory_space<hbm>> -> memref<10000x144xf32, #tpu.memory_space<hbm>>
    %dma_start3A_47 = tpu.memref_slice %arg10[%dma_start3A_36] : memref<4x!tpu.dma_semaphore, #tpu.memory_space<semaphore_mem>> -> memref<1x!tpu.dma_semaphore, #tpu.memory_space<semaphore_mem>>
    %dma_start3A_48 = tpu.memref_squeeze %dma_start3A_47 : memref<1x!tpu.dma_semaphore, #tpu.memory_space<semaphore_mem>> -> memref<!tpu.dma_semaphore, #tpu.memory_space<semaphore_mem>>
    tpu.enqueue_indirect_dma source(%dma_start3A_46 : memref<10000x144xf32, #tpu.memory_space<hbm>>) target(%dma_start3A_40 : memref<32x144xf32, #tpu.memory_space<vmem>>) offsets(%dma_start3A_43 : memref<32xi32, #tpu.memory_space<vmem>>) semaphore(%dma_start3A_48 : memref<!tpu.dma_semaphore, #tpu.memory_space<semaphore_mem>>)
    %scan3A = arith.constant 0 : i32
    %scan3A_49 = arith.constant 313 : i32
    %scan3A_50 = arith.addi %scan3A, %scan3A_49 : i32
    %scan3A_51 = arith.constant 1 : i32
    scf.for %scan3A_58 = %scan3A to %scan3A_50 step %scan3A_51  : i32 {
      %mul3A_59 = arith.constant 1 : i32
      %mul3A_60 = arith.muli %scan3A_58, %mul3A_59 : i32
      %add3A_61 = arith.constant 0 : i32
      %add3A_62 = arith.addi %add3A_61, %mul3A_60 : i32
      %rem3A = arith.constant 4 : i32
      %rem3A_63 = arith.remsi %add3A_62, %rem3A : i32
      %add3A_64 = arith.constant 4 : i32
      %add3A_65 = arith.addi %add3A_62, %add3A_64 : i32
      %sub3A = arith.constant 1 : i32
      %sub3A_66 = arith.subi %add3A_65, %sub3A : i32
      %rem3A_67 = arith.constant 4 : i32
      %rem3A_68 = arith.remsi %sub3A_66, %rem3A_67 : i32
      %add3A_69 = arith.constant 4 : i32
      %add3A_70 = arith.addi %add3A_62, %add3A_69 : i32
      %sub3A_71 = arith.constant 1 : i32
      %sub3A_72 = arith.subi %add3A_70, %sub3A_71 : i32
      %lt3A = arith.constant 313 : i32
      %lt3A_73 = arith.cmpi slt, %sub3A_72, %lt3A : i32
      %convert_element_type3A_74 = arith.extui %lt3A_73 : i1 to i32
      %cond3A_75 = arith.constant 0 : i32
      %cond3A_76 = arith.cmpi ne, %convert_element_type3A_74, %cond3A_75 : i32
      scf.if %cond3A_76 {
        %add3A_88 = arith.constant 4 : i32
        %add3A_89 = arith.addi %add3A_62, %add3A_88 : i32
        %sub3A_90 = arith.constant 1 : i32
        %sub3A_91 = arith.subi %add3A_89, %sub3A_90 : i32
        %dma_start3A_92 = arith.constant 0 : i32
        %dma_start3A_93 = arith.constant 0 : i32
        %dma_start3A_94 = tpu.memref_slice %arg9[%rem3A_68, %dma_start3A_92, %dma_start3A_93] : memref<4x32x144xf32, #tpu.memory_space<vmem>> -> memref<1x32x144xf32, #tpu.memory_space<vmem>>
        %dma_start3A_95 = tpu.memref_squeeze %dma_start3A_94 : memref<1x32x144xf32, #tpu.memory_space<vmem>> -> memref<32x144xf32, #tpu.memory_space<vmem>>
        %dma_start3A_96 = arith.constant 0 : i32
        %dma_start3A_97 = tpu.memref_slice %arg7[%sub3A_91, %dma_start3A_96] : memref<313x32xi32, #tpu.memory_space<vmem>> -> memref<1x32xi32, #tpu.memory_space<vmem>>
        %dma_start3A_98 = tpu.memref_squeeze %dma_start3A_97 : memref<1x32xi32, #tpu.memory_space<vmem>> -> memref<32xi32, #tpu.memory_space<vmem>>
        %dma_start3A_99 = arith.constant 0 : i32
        %dma_start3A_100 = arith.constant 0 : i32
        %dma_start3A_101 = tpu.memref_slice %arg2[%dma_start3A_99, %dma_start3A_100] : memref<10000x144xf32, #tpu.memory_space<hbm>> -> memref<10000x144xf32, #tpu.memory_space<hbm>>
        %dma_start3A_102 = tpu.memref_slice %arg10[%rem3A_68] : memref<4x!tpu.dma_semaphore, #tpu.memory_space<semaphore_mem>> -> memref<1x!tpu.dma_semaphore, #tpu.memory_space<semaphore_mem>>
        %dma_start3A_103 = tpu.memref_squeeze %dma_start3A_102 : memref<1x!tpu.dma_semaphore, #tpu.memory_space<semaphore_mem>> -> memref<!tpu.dma_semaphore, #tpu.memory_space<semaphore_mem>>
        tpu.enqueue_indirect_dma source(%dma_start3A_101 : memref<10000x144xf32, #tpu.memory_space<hbm>>) target(%dma_start3A_95 : memref<32x144xf32, #tpu.memory_space<vmem>>) offsets(%dma_start3A_98 : memref<32xi32, #tpu.memory_space<vmem>>) semaphore(%dma_start3A_103 : memref<!tpu.dma_semaphore, #tpu.memory_space<semaphore_mem>>)
      } else {
      }
      %dma_wait3A = arith.constant 0 : i32
      %dma_wait3A_77 = arith.constant 0 : i32
      %dma_wait3A_78 = tpu.memref_slice %arg9[%rem3A_63, %dma_wait3A, %dma_wait3A_77] : memref<4x32x144xf32, #tpu.memory_space<vmem>> -> memref<1x32x144xf32, #tpu.memory_space<vmem>>
      %dma_wait3A_79 = tpu.memref_squeeze %dma_wait3A_78 : memref<1x32x144xf32, #tpu.memory_space<vmem>> -> memref<32x144xf32, #tpu.memory_space<vmem>>
      %dma_wait3A_80 = arith.constant 0 : i32
      %dma_wait3A_81 = tpu.memref_slice %arg7[%add3A_62, %dma_wait3A_80] : memref<313x32xi32, #tpu.memory_space<vmem>> -> memref<1x32xi32, #tpu.memory_space<vmem>>
      %dma_wait3A_82 = tpu.memref_squeeze %dma_wait3A_81 : memref<1x32xi32, #tpu.memory_space<vmem>> -> memref<32xi32, #tpu.memory_space<vmem>>
      %dma_wait3A_83 = arith.constant 0 : i32
      %dma_wait3A_84 = arith.constant 0 : i32
      %dma_wait3A_85 = tpu.memref_slice %arg2[%dma_wait3A_83, %dma_wait3A_84] : memref<10000x144xf32, #tpu.memory_space<hbm>> -> memref<10000x144xf32, #tpu.memory_space<hbm>>
      %dma_wait3A_86 = tpu.memref_slice %arg10[%rem3A_63] : memref<4x!tpu.dma_semaphore, #tpu.memory_space<semaphore_mem>> -> memref<1x!tpu.dma_semaphore, #tpu.memory_space<semaphore_mem>>
      %dma_wait3A_87 = tpu.memref_squeeze %dma_wait3A_86 : memref<1x!tpu.dma_semaphore, #tpu.memory_space<semaphore_mem>> -> memref<!tpu.dma_semaphore, #tpu.memory_space<semaphore_mem>>
      tpu.wait_indirect_dma semaphore(%dma_wait3A_87 : memref<!tpu.dma_semaphore, #tpu.memory_space<semaphore_mem>>) src(%dma_wait3A_85 : memref<10000x144xf32, #tpu.memory_space<hbm>>) dst(%dma_wait3A_79 : memref<32x144xf32, #tpu.memory_space<vmem>>)
      "tpu.region"() ({
        %run_scoped3A = tpu.sem_alloc : memref<!tpu.dma_semaphore, #tpu.memory_space<semaphore_mem>>
        %dma_start3A_88 = arith.constant 0 : i32
        %dma_start3A_89 = arith.constant 0 : i32
        %dma_start3A_90 = tpu.memref_slice %arg9[%rem3A_63, %dma_start3A_88, %dma_start3A_89] : memref<4x32x144xf32, #tpu.memory_space<vmem>> -> memref<1x32x144xf32, #tpu.memory_space<vmem>>
        %dma_start3A_91 = tpu.memref_squeeze %dma_start3A_90 : memref<1x32x144xf32, #tpu.memory_space<vmem>> -> memref<32x144xf32, #tpu.memory_space<vmem>>
        %dma_start3A_92 = arith.constant 0 : i32
        %dma_start3A_93 = tpu.memref_slice %arg8[%add3A_62, %dma_start3A_92] : memref<313x32xi32, #tpu.memory_space<vmem>> -> memref<1x32xi32, #tpu.memory_space<vmem>>
        %dma_start3A_94 = tpu.memref_squeeze %dma_start3A_93 : memref<1x32xi32, #tpu.memory_space<vmem>> -> memref<32xi32, #tpu.memory_space<vmem>>
        %dma_start3A_95 = arith.constant 0 : i32
        %dma_start3A_96 = arith.constant 0 : i32
        %dma_start3A_97 = tpu.memref_slice %arg11[%dma_start3A_95, %dma_start3A_96] : memref<10008x144xf32, #tpu.memory_space<vmem_shared>> -> memref<10008x144xf32, #tpu.memory_space<vmem_shared>>
        tpu.enqueue_indirect_dma source(%dma_start3A_91 : memref<32x144xf32, #tpu.memory_space<vmem>>) target(%dma_start3A_97 : memref<10008x144xf32, #tpu.memory_space<vmem_shared>>) offsets(%dma_start3A_94 : memref<32xi32, #tpu.memory_space<vmem>>) semaphore(%run_scoped3A : memref<!tpu.dma_semaphore, #tpu.memory_space<semaphore_mem>>) {add = true}
        %dma_wait3A_98 = arith.constant 0 : i32
        %dma_wait3A_99 = arith.constant 0 : i32
        %dma_wait3A_100 = tpu.memref_slice %arg9[%rem3A_63, %dma_wait3A_98, %dma_wait3A_99] : memref<4x32x144xf32, #tpu.memory_space<vmem>> -> memref<1x32x144xf32, #tpu.memory_space<vmem>>
        %dma_wait3A_101 = tpu.memref_squeeze %dma_wait3A_100 : memref<1x32x144xf32, #tpu.memory_space<vmem>> -> memref<32x144xf32, #tpu.memory_space<vmem>>
        %dma_wait3A_102 = arith.constant 0 : i32
        %dma_wait3A_103 = tpu.memref_slice %arg8[%add3A_62, %dma_wait3A_102] : memref<313x32xi32, #tpu.memory_space<vmem>> -> memref<1x32xi32, #tpu.memory_space<vmem>>
        %dma_wait3A_104 = tpu.memref_squeeze %dma_wait3A_103 : memref<1x32xi32, #tpu.memory_space<vmem>> -> memref<32xi32, #tpu.memory_space<vmem>>
        %dma_wait3A_105 = arith.constant 0 : i32
        %dma_wait3A_106 = arith.constant 0 : i32
        %dma_wait3A_107 = tpu.memref_slice %arg11[%dma_wait3A_105, %dma_wait3A_106] : memref<10008x144xf32, #tpu.memory_space<vmem_shared>> -> memref<10008x144xf32, #tpu.memory_space<vmem_shared>>
        tpu.wait_indirect_dma semaphore(%run_scoped3A : memref<!tpu.dma_semaphore, #tpu.memory_space<semaphore_mem>>) src(%dma_wait3A_101 : memref<32x144xf32, #tpu.memory_space<vmem>>) dst(%dma_wait3A_107 : memref<10008x144xf32, #tpu.memory_space<vmem_shared>>)
        tpu.yield
      }) : () -> ()
    }
    %scan3A_52 = arith.constant 313 : i32
    %barrier3A_53 = arith.constant 0 : index
    tpu.barrier barrier_id(%barrier3A_53)
    %mul3A_54 = arith.constant 625 : i32
    %mul3A_55 = arith.muli %arg1, %mul3A_54 : i32
    %mul3A_56 = arith.constant 625 : i32
    %mul3A_57 = arith.muli %arg1, %mul3A_56 : i32
    "tpu.region"() ({
      %run_scoped3A = tpu.sem_alloc : memref<!tpu.dma_semaphore, #tpu.memory_space<semaphore_mem>>
      %dma_start3A_58 = arith.constant 0 : i32
      %dma_start3A_59 = tpu.memref_slice %arg6[%arg0, %mul3A_57, %dma_start3A_58] : memref<2x10000x144xf32, #tpu.memory_space<hbm>> -> memref<1x625x144xf32, #tpu.memory_space<hbm>>
      %dma_start3A_60 = tpu.memref_squeeze %dma_start3A_59 : memref<1x625x144xf32, #tpu.memory_space<hbm>> -> memref<625x144xf32, #tpu.memory_space<hbm>>
      %dma_start3A_61 = arith.constant 0 : i32
      %dma_start3A_62 = tpu.memref_slice %arg11[%mul3A_55, %dma_start3A_61] : memref<10008x144xf32, #tpu.memory_space<vmem_shared>> -> memref<625x144xf32, #tpu.memory_space<vmem_shared>>
      tpu.enqueue_dma source(%dma_start3A_62 : memref<625x144xf32, #tpu.memory_space<vmem_shared>>) target(%dma_start3A_60 : memref<625x144xf32, #tpu.memory_space<hbm>>) target_semaphore(%run_scoped3A : memref<!tpu.dma_semaphore, #tpu.memory_space<semaphore_mem>>)
      %dma_wait3A = arith.constant 0 : i32
      %dma_wait3A_63 = tpu.memref_slice %arg6[%arg0, %mul3A_57, %dma_wait3A] : memref<2x10000x144xf32, #tpu.memory_space<hbm>> -> memref<1x625x144xf32, #tpu.memory_space<hbm>>
      %dma_wait3A_64 = tpu.memref_squeeze %dma_wait3A_63 : memref<1x625x144xf32, #tpu.memory_space<hbm>> -> memref<625x144xf32, #tpu.memory_space<hbm>>
      %dma_wait3A_65 = arith.constant 0 : i32
      %dma_wait3A_66 = tpu.memref_slice %arg11[%mul3A_55, %dma_wait3A_65] : memref<10008x144xf32, #tpu.memory_space<vmem_shared>> -> memref<625x144xf32, #tpu.memory_space<vmem_shared>>
      tpu.wait_dma2 semaphore(%run_scoped3A : memref<!tpu.dma_semaphore, #tpu.memory_space<semaphore_mem>>) src(%dma_wait3A_66 : memref<625x144xf32, #tpu.memory_space<vmem_shared>>) dst(%dma_wait3A_64 : memref<625x144xf32, #tpu.memory_space<hbm>>)
      tpu.yield
    }) : () -> ()
    return
  }
}

module attributes {stable_mosaic.version = 14 : i64} {
  func.func @_dense0_body(%arg0: i32, %arg1: memref<400x128xf32, #tpu.memory_space<vmem>>, %arg2: memref<2x400x144xf32, #tpu.memory_space<vmem>>, %arg3: memref<128x128xf32, #tpu.memory_space<vmem>>, %arg4: memref<128x128xf32, #tpu.memory_space<vmem>>, %arg5: memref<1x128xf32, #tpu.memory_space<vmem>>, %arg6: memref<1x128xf32, #tpu.memory_space<vmem>>, %arg7: memref<1x128xf32, #tpu.memory_space<vmem>>, %arg8: memref<400x128xf32, #tpu.memory_space<vmem>>, %arg9: memref<400x128xf32, #tpu.memory_space<vmem>>) attributes {dimension_semantics = [#tpu.dimension_semantics<arbitrary>], iteration_bounds = array<i64: 25>, scalar_prefetch = 0 : i64, scratch_operands = 0 : i64, tpu.core_type = #tpu.core_type<tc>, window_params = [{transform_indices = @transform_0, window_bounds = array<i64: 400, 128>}, {transform_indices = @transform_1, window_bounds = array<i64: 2, 400, 144>}, {pipeline_mode = #tpu.pipeline_mode<synchronous>, transform_indices = @transform_2, window_bounds = array<i64: 128, 128>}, {pipeline_mode = #tpu.pipeline_mode<synchronous>, transform_indices = @transform_3, window_bounds = array<i64: 128, 128>}, {pipeline_mode = #tpu.pipeline_mode<synchronous>, transform_indices = @transform_4, window_bounds = array<i64: 1, 128>}, {pipeline_mode = #tpu.pipeline_mode<synchronous>, transform_indices = @transform_5, window_bounds = array<i64: 1, 128>}, {pipeline_mode = #tpu.pipeline_mode<synchronous>, transform_indices = @transform_6, window_bounds = array<i64: 1, 128>}, {transform_indices = @transform_7, window_bounds = array<i64: 400, 128>}, {transform_indices = @transform_8, window_bounds = array<i64: 400, 128>}]} {
    %get3A = arith.constant 0 : index
    %get3A_0 = arith.constant 0 : index
    %get3A_1 = arith.constant 0 : index
    %get3A_2 = vector.load %arg2[%get3A, %get3A_0, %get3A_1] : memref<2x400x144xf32, #tpu.memory_space<vmem>>, vector<1x400x144xf32>
    %get3A_3 = vector.shape_cast %get3A_2 : vector<1x400x144xf32> to vector<400x144xf32>
    %get3A_4 = arith.constant 1 : index
    %get3A_5 = arith.constant 0 : index
    %get3A_6 = arith.constant 0 : index
    %get3A_7 = vector.load %arg2[%get3A_4, %get3A_5, %get3A_6] : memref<2x400x144xf32, #tpu.memory_space<vmem>>, vector<1x400x144xf32>
    %get3A_8 = vector.shape_cast %get3A_7 : vector<1x400x144xf32> to vector<400x144xf32>
    %add3A = arith.addf %get3A_3, %get3A_8 : vector<400x144xf32>
    %slice3A = vector.extract_strided_slice %add3A {offsets = [0, 128], sizes = [400, 1], strides = [1, 1]} : vector<400x144xf32> to vector<400x1xf32>
    %max3A = arith.constant 1.000000e+00 : f32
    %max3A_9 = vector.broadcast %max3A : f32 to vector<400x1xf32>
    %max3A_10 = arith.maximumf %slice3A, %max3A_9 : vector<400x1xf32>
    %div3A = arith.constant 1.000000e+00 : f32
    %div3A_11 = vector.broadcast %div3A : f32 to vector<400x1xf32>
    %div3A_12 = arith.divf %div3A_11, %max3A_10 : vector<400x1xf32>
    %slice3A_13 = vector.extract_strided_slice %add3A {offsets = [0, 0], sizes = [400, 128], strides = [1, 1]} : vector<400x144xf32> to vector<400x128xf32>
    %mul3A = vector.broadcast %div3A_12 : vector<400x1xf32> to vector<400x128xf32>
    %mul3A_14 = arith.mulf %slice3A_13, %mul3A : vector<400x128xf32>
    %get3A_15 = arith.constant 0 : index
    %get3A_16 = arith.constant 0 : index
    %get3A_17 = vector.load %arg1[%get3A_15, %get3A_16] : memref<400x128xf32, #tpu.memory_space<vmem>>, vector<400x128xf32>
    %get3A_18 = arith.constant 0 : index
    %get3A_19 = arith.constant 0 : index
    %get3A_20 = vector.load %arg3[%get3A_18, %get3A_19] : memref<128x128xf32, #tpu.memory_space<vmem>>, vector<128x128xf32>
    %dot_general3A = arith.constant dense<0.000000e+00> : vector<400x128xf32>
    %dot_general3A_21 = tpu.matmul %get3A_17, %get3A_20, %dot_general3A {dimension_numbers = #tpu.dot_dimension_numbers<[1], [0], [0], [1], [0, 0, 1, 1], [], []>, transpose_lhs_hint = false} : vector<400x128xf32>, vector<128x128xf32>, vector<400x128xf32> -> vector<400x128xf32>
    %get3A_22 = arith.constant 0 : index
    %get3A_23 = arith.constant 0 : index
    %get3A_24 = vector.load %arg4[%get3A_22, %get3A_23] : memref<128x128xf32, #tpu.memory_space<vmem>>, vector<128x128xf32>
    %dot_general3A_25 = arith.constant dense<0.000000e+00> : vector<400x128xf32>
    %dot_general3A_26 = tpu.matmul %mul3A_14, %get3A_24, %dot_general3A_25 {dimension_numbers = #tpu.dot_dimension_numbers<[1], [0], [0], [1], [0, 0, 1, 1], [], []>, transpose_lhs_hint = false} : vector<400x128xf32>, vector<128x128xf32>, vector<400x128xf32> -> vector<400x128xf32>
    %add3A_27 = arith.addf %dot_general3A_21, %dot_general3A_26 : vector<400x128xf32>
    %get3A_28 = arith.constant 0 : index
    %get3A_29 = arith.constant 0 : index
    %get3A_30 = vector.load %arg5[%get3A_28, %get3A_29] : memref<1x128xf32, #tpu.memory_space<vmem>>, vector<1x128xf32>
    %add3A_31 = vector.broadcast %get3A_30 : vector<1x128xf32> to vector<400x128xf32>
    %add3A_32 = arith.addf %add3A_27, %add3A_31 : vector<400x128xf32>
    %add3A_33 = arith.addf %add3A_32, %get3A_17 : vector<400x128xf32>
    %get3A_34 = arith.constant 0 : index
    %get3A_35 = arith.constant 0 : index
    %get3A_36 = vector.load %arg6[%get3A_34, %get3A_35] : memref<1x128xf32, #tpu.memory_space<vmem>>, vector<1x128xf32>
    %mul3A_37 = vector.broadcast %get3A_36 : vector<1x128xf32> to vector<400x128xf32>
    %mul3A_38 = arith.mulf %mul3A_37, %add3A_33 : vector<400x128xf32>
    %get3A_39 = arith.constant 0 : index
    %get3A_40 = arith.constant 0 : index
    %get3A_41 = vector.load %arg7[%get3A_39, %get3A_40] : memref<1x128xf32, #tpu.memory_space<vmem>>, vector<1x128xf32>
    %add3A_42 = vector.broadcast %get3A_41 : vector<1x128xf32> to vector<400x128xf32>
    %add3A_43 = arith.addf %mul3A_38, %add3A_42 : vector<400x128xf32>
    %max3A_44 = arith.constant 0.000000e+00 : f32
    %max3A_45 = vector.broadcast %max3A_44 : f32 to vector<400x128xf32>
    %max3A_46 = arith.maximumf %add3A_43, %max3A_45 : vector<400x128xf32>
    %swap3A = arith.constant 0 : index
    %swap3A_47 = arith.constant 0 : index
    %swap3A_48 = vector.load %arg8[%swap3A, %swap3A_47] : memref<400x128xf32, #tpu.memory_space<vmem>>, vector<400x128xf32>
    tpu.vector_store %arg8[%swap3A, %swap3A_47], %max3A_46 {strides = array<i32>} : memref<400x128xf32, #tpu.memory_space<vmem>>, vector<400x128xf32>,
    %broadcast_in_dim3A = vector.shape_cast %div3A_12 : vector<400x1xf32> to vector<400x1xf32>
    %broadcast_in_dim3A_49 = vector.broadcast %broadcast_in_dim3A : vector<400x1xf32> to vector<400x128xf32>
    %swap3A_50 = arith.constant 0 : index
    %swap3A_51 = arith.constant 0 : index
    %swap3A_52 = vector.load %arg9[%swap3A_50, %swap3A_51] : memref<400x128xf32, #tpu.memory_space<vmem>>, vector<400x128xf32>
    tpu.vector_store %arg9[%swap3A_50, %swap3A_51], %broadcast_in_dim3A_49 {strides = array<i32>} : memref<400x128xf32, #tpu.memory_space<vmem>>, vector<400x128xf32>,
    return
  }
  func.func @transform_0(%arg0: i32) -> (i32, i32) {
    %c0_i32 = arith.constant 0 : i32
    %c0_i32_0 = arith.constant 0 : i32
    return %arg0, %c0_i32 : i32, i32
  }
  func.func @transform_1(%arg0: i32) -> (i32, i32, i32) {
    %c0_i32 = arith.constant 0 : i32
    %c0_i32_0 = arith.constant 0 : i32
    %c0_i32_1 = arith.constant 0 : i32
    return %c0_i32, %arg0, %c0_i32_0 : i32, i32, i32
  }
  func.func @transform_2(%arg0: i32) -> (i32, i32) {
    %c0_i32 = arith.constant 0 : i32
    %c0_i32_0 = arith.constant 0 : i32
    %c0_i32_1 = arith.constant 0 : i32
    return %c0_i32, %c0_i32_0 : i32, i32
  }
  func.func @transform_3(%arg0: i32) -> (i32, i32) {
    %c0_i32 = arith.constant 0 : i32
    %c0_i32_0 = arith.constant 0 : i32
    %c0_i32_1 = arith.constant 0 : i32
    return %c0_i32, %c0_i32_0 : i32, i32
  }
  func.func @transform_4(%arg0: i32) -> (i32, i32) {
    %c0_i32 = arith.constant 0 : i32
    %c0_i32_0 = arith.constant 0 : i32
    %c0_i32_1 = arith.constant 0 : i32
    return %c0_i32, %c0_i32_0 : i32, i32
  }
  func.func @transform_5(%arg0: i32) -> (i32, i32) {
    %c0_i32 = arith.constant 0 : i32
    %c0_i32_0 = arith.constant 0 : i32
    %c0_i32_1 = arith.constant 0 : i32
    return %c0_i32, %c0_i32_0 : i32, i32
  }
  func.func @transform_6(%arg0: i32) -> (i32, i32) {
    %c0_i32 = arith.constant 0 : i32
    %c0_i32_0 = arith.constant 0 : i32
    %c0_i32_1 = arith.constant 0 : i32
    return %c0_i32, %c0_i32_0 : i32, i32
  }
  func.func @transform_7(%arg0: i32) -> (i32, i32) {
    %c0_i32 = arith.constant 0 : i32
    %c0_i32_0 = arith.constant 0 : i32
    return %arg0, %c0_i32 : i32, i32
  }
  func.func @transform_8(%arg0: i32) -> (i32, i32) {
    %c0_i32 = arith.constant 0 : i32
    %c0_i32_0 = arith.constant 0 : i32
    return %arg0, %c0_i32 : i32, i32
  }
}

module attributes {stable_mosaic.version = 14 : i64} {
  func.func @_dense_body(%arg0: i32, %arg1: memref<400x128xf32, #tpu.memory_space<vmem>>, %arg2: memref<2x400x128xf32, #tpu.memory_space<vmem>>, %arg3: memref<400x128xf32, #tpu.memory_space<vmem>>, %arg4: memref<128x128xf32, #tpu.memory_space<vmem>>, %arg5: memref<128x128xf32, #tpu.memory_space<vmem>>, %arg6: memref<1x128xf32, #tpu.memory_space<vmem>>, %arg7: memref<1x128xf32, #tpu.memory_space<vmem>>, %arg8: memref<1x128xf32, #tpu.memory_space<vmem>>, %arg9: memref<400x128xf32, #tpu.memory_space<vmem>>) attributes {dimension_semantics = [#tpu.dimension_semantics<arbitrary>], iteration_bounds = array<i64: 25>, scalar_prefetch = 0 : i64, scratch_operands = 0 : i64, tpu.core_type = #tpu.core_type<tc>, window_params = [{transform_indices = @transform_0, window_bounds = array<i64: 400, 128>}, {transform_indices = @transform_1, window_bounds = array<i64: 2, 400, 128>}, {transform_indices = @transform_2, window_bounds = array<i64: 400, 128>}, {pipeline_mode = #tpu.pipeline_mode<synchronous>, transform_indices = @transform_3, window_bounds = array<i64: 128, 128>}, {pipeline_mode = #tpu.pipeline_mode<synchronous>, transform_indices = @transform_4, window_bounds = array<i64: 128, 128>}, {pipeline_mode = #tpu.pipeline_mode<synchronous>, transform_indices = @transform_5, window_bounds = array<i64: 1, 128>}, {pipeline_mode = #tpu.pipeline_mode<synchronous>, transform_indices = @transform_6, window_bounds = array<i64: 1, 128>}, {pipeline_mode = #tpu.pipeline_mode<synchronous>, transform_indices = @transform_7, window_bounds = array<i64: 1, 128>}, {transform_indices = @transform_8, window_bounds = array<i64: 400, 128>}]} {
    %get3A = arith.constant 0 : index
    %get3A_0 = arith.constant 0 : index
    %get3A_1 = arith.constant 0 : index
    %get3A_2 = vector.load %arg2[%get3A, %get3A_0, %get3A_1] : memref<2x400x128xf32, #tpu.memory_space<vmem>>, vector<1x400x128xf32>
    %get3A_3 = vector.shape_cast %get3A_2 : vector<1x400x128xf32> to vector<400x128xf32>
    %get3A_4 = arith.constant 1 : index
    %get3A_5 = arith.constant 0 : index
    %get3A_6 = arith.constant 0 : index
    %get3A_7 = vector.load %arg2[%get3A_4, %get3A_5, %get3A_6] : memref<2x400x128xf32, #tpu.memory_space<vmem>>, vector<1x400x128xf32>
    %get3A_8 = vector.shape_cast %get3A_7 : vector<1x400x128xf32> to vector<400x128xf32>
    %add3A = arith.addf %get3A_3, %get3A_8 : vector<400x128xf32>
    %get3A_9 = arith.constant 0 : index
    %get3A_10 = arith.constant 0 : index
    %get3A_11 = vector.load %arg3[%get3A_9, %get3A_10] : memref<400x128xf32, #tpu.memory_space<vmem>>, vector<400x128xf32>
    %mul3A = arith.mulf %add3A, %get3A_11 : vector<400x128xf32>
    %get3A_12 = arith.constant 0 : index
    %get3A_13 = arith.constant 0 : index
    %get3A_14 = vector.load %arg1[%get3A_12, %get3A_13] : memref<400x128xf32, #tpu.memory_space<vmem>>, vector<400x128xf32>
    %get3A_15 = arith.constant 0 : index
    %get3A_16 = arith.constant 0 : index
    %get3A_17 = vector.load %arg4[%get3A_15, %get3A_16] : memref<128x128xf32, #tpu.memory_space<vmem>>, vector<128x128xf32>
    %dot_general3A = arith.constant dense<0.000000e+00> : vector<400x128xf32>
    %dot_general3A_18 = tpu.matmul %get3A_14, %get3A_17, %dot_general3A {dimension_numbers = #tpu.dot_dimension_numbers<[1], [0], [0], [1], [0, 0, 1, 1], [], []>, transpose_lhs_hint = false} : vector<400x128xf32>, vector<128x128xf32>, vector<400x128xf32> -> vector<400x128xf32>
    %get3A_19 = arith.constant 0 : index
    %get3A_20 = arith.constant 0 : index
    %get3A_21 = vector.load %arg5[%get3A_19, %get3A_20] : memref<128x128xf32, #tpu.memory_space<vmem>>, vector<128x128xf32>
    %dot_general3A_22 = arith.constant dense<0.000000e+00> : vector<400x128xf32>
    %dot_general3A_23 = tpu.matmul %mul3A, %get3A_21, %dot_general3A_22 {dimension_numbers = #tpu.dot_dimension_numbers<[1], [0], [0], [1], [0, 0, 1, 1], [], []>, transpose_lhs_hint = false} : vector<400x128xf32>, vector<128x128xf32>, vector<400x128xf32> -> vector<400x128xf32>
    %add3A_24 = arith.addf %dot_general3A_18, %dot_general3A_23 : vector<400x128xf32>
    %get3A_25 = arith.constant 0 : index
    %get3A_26 = arith.constant 0 : index
    %get3A_27 = vector.load %arg6[%get3A_25, %get3A_26] : memref<1x128xf32, #tpu.memory_space<vmem>>, vector<1x128xf32>
    %add3A_28 = vector.broadcast %get3A_27 : vector<1x128xf32> to vector<400x128xf32>
    %add3A_29 = arith.addf %add3A_24, %add3A_28 : vector<400x128xf32>
    %add3A_30 = arith.addf %add3A_29, %get3A_14 : vector<400x128xf32>
    %get3A_31 = arith.constant 0 : index
    %get3A_32 = arith.constant 0 : index
    %get3A_33 = vector.load %arg7[%get3A_31, %get3A_32] : memref<1x128xf32, #tpu.memory_space<vmem>>, vector<1x128xf32>
    %mul3A_34 = vector.broadcast %get3A_33 : vector<1x128xf32> to vector<400x128xf32>
    %mul3A_35 = arith.mulf %mul3A_34, %add3A_30 : vector<400x128xf32>
    %get3A_36 = arith.constant 0 : index
    %get3A_37 = arith.constant 0 : index
    %get3A_38 = vector.load %arg8[%get3A_36, %get3A_37] : memref<1x128xf32, #tpu.memory_space<vmem>>, vector<1x128xf32>
    %add3A_39 = vector.broadcast %get3A_38 : vector<1x128xf32> to vector<400x128xf32>
    %add3A_40 = arith.addf %mul3A_35, %add3A_39 : vector<400x128xf32>
    %max3A = arith.constant 0.000000e+00 : f32
    %max3A_41 = vector.broadcast %max3A : f32 to vector<400x128xf32>
    %max3A_42 = arith.maximumf %add3A_40, %max3A_41 : vector<400x128xf32>
    %swap3A = arith.constant 0 : index
    %swap3A_43 = arith.constant 0 : index
    %swap3A_44 = vector.load %arg9[%swap3A, %swap3A_43] : memref<400x128xf32, #tpu.memory_space<vmem>>, vector<400x128xf32>
    tpu.vector_store %arg9[%swap3A, %swap3A_43], %max3A_42 {strides = array<i32>} : memref<400x128xf32, #tpu.memory_space<vmem>>, vector<400x128xf32>,
    return
  }
  func.func @transform_0(%arg0: i32) -> (i32, i32) {
    %c0_i32 = arith.constant 0 : i32
    %c0_i32_0 = arith.constant 0 : i32
    return %arg0, %c0_i32 : i32, i32
  }
  func.func @transform_1(%arg0: i32) -> (i32, i32, i32) {
    %c0_i32 = arith.constant 0 : i32
    %c0_i32_0 = arith.constant 0 : i32
    %c0_i32_1 = arith.constant 0 : i32
    return %c0_i32, %arg0, %c0_i32_0 : i32, i32, i32
  }
  func.func @transform_2(%arg0: i32) -> (i32, i32) {
    %c0_i32 = arith.constant 0 : i32
    %c0_i32_0 = arith.constant 0 : i32
    return %arg0, %c0_i32 : i32, i32
  }
  func.func @transform_3(%arg0: i32) -> (i32, i32) {
    %c0_i32 = arith.constant 0 : i32
    %c0_i32_0 = arith.constant 0 : i32
    %c0_i32_1 = arith.constant 0 : i32
    return %c0_i32, %c0_i32_0 : i32, i32
  }
  func.func @transform_4(%arg0: i32) -> (i32, i32) {
    %c0_i32 = arith.constant 0 : i32
    %c0_i32_0 = arith.constant 0 : i32
    %c0_i32_1 = arith.constant 0 : i32
    return %c0_i32, %c0_i32_0 : i32, i32
  }
  func.func @transform_5(%arg0: i32) -> (i32, i32) {
    %c0_i32 = arith.constant 0 : i32
    %c0_i32_0 = arith.constant 0 : i32
    %c0_i32_1 = arith.constant 0 : i32
    return %c0_i32, %c0_i32_0 : i32, i32
  }
  func.func @transform_6(%arg0: i32) -> (i32, i32) {
    %c0_i32 = arith.constant 0 : i32
    %c0_i32_0 = arith.constant 0 : i32
    %c0_i32_1 = arith.constant 0 : i32
    return %c0_i32, %c0_i32_0 : i32, i32
  }
  func.func @transform_7(%arg0: i32) -> (i32, i32) {
    %c0_i32 = arith.constant 0 : i32
    %c0_i32_0 = arith.constant 0 : i32
    %c0_i32_1 = arith.constant 0 : i32
    return %c0_i32, %c0_i32_0 : i32, i32
  }
  func.func @transform_8(%arg0: i32) -> (i32, i32) {
    %c0_i32 = arith.constant 0 : i32
    %c0_i32_0 = arith.constant 0 : i32
    return %arg0, %c0_i32 : i32, i32
  }
}

module attributes {stable_mosaic.version = 14 : i64} {
  func.func @_dense_body(%arg0: i32, %arg1: memref<400x128xf32, #tpu.memory_space<vmem>>, %arg2: memref<2x400x128xf32, #tpu.memory_space<vmem>>, %arg3: memref<400x128xf32, #tpu.memory_space<vmem>>, %arg4: memref<128x128xf32, #tpu.memory_space<vmem>>, %arg5: memref<128x128xf32, #tpu.memory_space<vmem>>, %arg6: memref<1x128xf32, #tpu.memory_space<vmem>>, %arg7: memref<400x128xf32, #tpu.memory_space<vmem>>) attributes {dimension_semantics = [#tpu.dimension_semantics<arbitrary>], iteration_bounds = array<i64: 25>, scalar_prefetch = 0 : i64, scratch_operands = 0 : i64, tpu.core_type = #tpu.core_type<tc>, window_params = [{transform_indices = @transform_0, window_bounds = array<i64: 400, 128>}, {transform_indices = @transform_1, window_bounds = array<i64: 2, 400, 128>}, {transform_indices = @transform_2, window_bounds = array<i64: 400, 128>}, {pipeline_mode = #tpu.pipeline_mode<synchronous>, transform_indices = @transform_3, window_bounds = array<i64: 128, 128>}, {pipeline_mode = #tpu.pipeline_mode<synchronous>, transform_indices = @transform_4, window_bounds = array<i64: 128, 128>}, {pipeline_mode = #tpu.pipeline_mode<synchronous>, transform_indices = @transform_5, window_bounds = array<i64: 1, 128>}, {transform_indices = @transform_6, window_bounds = array<i64: 400, 128>}]} {
    %get3A = arith.constant 0 : index
    %get3A_0 = arith.constant 0 : index
    %get3A_1 = arith.constant 0 : index
    %get3A_2 = vector.load %arg2[%get3A, %get3A_0, %get3A_1] : memref<2x400x128xf32, #tpu.memory_space<vmem>>, vector<1x400x128xf32>
    %get3A_3 = vector.shape_cast %get3A_2 : vector<1x400x128xf32> to vector<400x128xf32>
    %get3A_4 = arith.constant 1 : index
    %get3A_5 = arith.constant 0 : index
    %get3A_6 = arith.constant 0 : index
    %get3A_7 = vector.load %arg2[%get3A_4, %get3A_5, %get3A_6] : memref<2x400x128xf32, #tpu.memory_space<vmem>>, vector<1x400x128xf32>
    %get3A_8 = vector.shape_cast %get3A_7 : vector<1x400x128xf32> to vector<400x128xf32>
    %add3A = arith.addf %get3A_3, %get3A_8 : vector<400x128xf32>
    %get3A_9 = arith.constant 0 : index
    %get3A_10 = arith.constant 0 : index
    %get3A_11 = vector.load %arg3[%get3A_9, %get3A_10] : memref<400x128xf32, #tpu.memory_space<vmem>>, vector<400x128xf32>
    %mul3A = arith.mulf %add3A, %get3A_11 : vector<400x128xf32>
    %get3A_12 = arith.constant 0 : index
    %get3A_13 = arith.constant 0 : index
    %get3A_14 = vector.load %arg1[%get3A_12, %get3A_13] : memref<400x128xf32, #tpu.memory_space<vmem>>, vector<400x128xf32>
    %get3A_15 = arith.constant 0 : index
    %get3A_16 = arith.constant 0 : index
    %get3A_17 = vector.load %arg4[%get3A_15, %get3A_16] : memref<128x128xf32, #tpu.memory_space<vmem>>, vector<128x128xf32>
    %dot_general3A = arith.constant dense<0.000000e+00> : vector<400x128xf32>
    %dot_general3A_18 = tpu.matmul %get3A_14, %get3A_17, %dot_general3A {dimension_numbers = #tpu.dot_dimension_numbers<[1], [0], [0], [1], [0, 0, 1, 1], [], []>, transpose_lhs_hint = false} : vector<400x128xf32>, vector<128x128xf32>, vector<400x128xf32> -> vector<400x128xf32>
    %get3A_19 = arith.constant 0 : index
    %get3A_20 = arith.constant 0 : index
    %get3A_21 = vector.load %arg5[%get3A_19, %get3A_20] : memref<128x128xf32, #tpu.memory_space<vmem>>, vector<128x128xf32>
    %dot_general3A_22 = arith.constant dense<0.000000e+00> : vector<400x128xf32>
    %dot_general3A_23 = tpu.matmul %mul3A, %get3A_21, %dot_general3A_22 {dimension_numbers = #tpu.dot_dimension_numbers<[1], [0], [0], [1], [0, 0, 1, 1], [], []>, transpose_lhs_hint = false} : vector<400x128xf32>, vector<128x128xf32>, vector<400x128xf32> -> vector<400x128xf32>
    %add3A_24 = arith.addf %dot_general3A_18, %dot_general3A_23 : vector<400x128xf32>
    %get3A_25 = arith.constant 0 : index
    %get3A_26 = arith.constant 0 : index
    %get3A_27 = vector.load %arg6[%get3A_25, %get3A_26] : memref<1x128xf32, #tpu.memory_space<vmem>>, vector<1x128xf32>
    %add3A_28 = vector.broadcast %get3A_27 : vector<1x128xf32> to vector<400x128xf32>
    %add3A_29 = arith.addf %add3A_24, %add3A_28 : vector<400x128xf32>
    %add3A_30 = arith.addf %add3A_29, %get3A_14 : vector<400x128xf32>
    %swap3A = arith.constant 0 : index
    %swap3A_31 = arith.constant 0 : index
    %swap3A_32 = vector.load %arg7[%swap3A, %swap3A_31] : memref<400x128xf32, #tpu.memory_space<vmem>>, vector<400x128xf32>
    tpu.vector_store %arg7[%swap3A, %swap3A_31], %add3A_30 {strides = array<i32>} : memref<400x128xf32, #tpu.memory_space<vmem>>, vector<400x128xf32>,
    return
  }
  func.func @transform_0(%arg0: i32) -> (i32, i32) {
    %c0_i32 = arith.constant 0 : i32
    %c0_i32_0 = arith.constant 0 : i32
    return %arg0, %c0_i32 : i32, i32
  }
  func.func @transform_1(%arg0: i32) -> (i32, i32, i32) {
    %c0_i32 = arith.constant 0 : i32
    %c0_i32_0 = arith.constant 0 : i32
    %c0_i32_1 = arith.constant 0 : i32
    return %c0_i32, %arg0, %c0_i32_0 : i32, i32, i32
  }
  func.func @transform_2(%arg0: i32) -> (i32, i32) {
    %c0_i32 = arith.constant 0 : i32
    %c0_i32_0 = arith.constant 0 : i32
    return %arg0, %c0_i32 : i32, i32
  }
  func.func @transform_3(%arg0: i32) -> (i32, i32) {
    %c0_i32 = arith.constant 0 : i32
    %c0_i32_0 = arith.constant 0 : i32
    %c0_i32_1 = arith.constant 0 : i32
    return %c0_i32, %c0_i32_0 : i32, i32
  }
  func.func @transform_4(%arg0: i32) -> (i32, i32) {
    %c0_i32 = arith.constant 0 : i32
    %c0_i32_0 = arith.constant 0 : i32
    %c0_i32_1 = arith.constant 0 : i32
    return %c0_i32, %c0_i32_0 : i32, i32
  }
  func.func @transform_5(%arg0: i32) -> (i32, i32) {
    %c0_i32 = arith.constant 0 : i32
    %c0_i32_0 = arith.constant 0 : i32
    %c0_i32_1 = arith.constant 0 : i32
    return %c0_i32, %c0_i32_0 : i32, i32
  }
  func.func @transform_6(%arg0: i32) -> (i32, i32) {
    %c0_i32 = arith.constant 0 : i32
    %c0_i32_0 = arith.constant 0 : i32
    return %arg0, %c0_i32 : i32, i32
  }
}

</mosaic_0001>

<sc_bundles>
// kernel: kernel.11.cloned.1.call-start
scs
__scs_entry_jumppad:
0x0: {  	(pc) =	sbr.rel $0x88, $3  }
0x1: {  	(tag) =	ssettag $0x0;
	lr =	simm.s32 $0x1  }
0x2: {  	[smem:$0x3F92] =	sst lr;
	_ =	strace $0xD0000000  }
0x3: {  	_ = 	snop  }
0x4: {  	_ = 	snop  }
0x5: {  	_ = 	snop  }
0x6: {  	_ = 	snop  }
0x7: {  	_ = 	snop  }
__scs_overlays_trampoline_lowered:
0x8: {  	[smem:$0x3FA1] =	sst s0  }
0x9: {  	[smem:$0x3FA2] =	sst s1  }
0xa: {  	[smem:$0x3FA3] =	sst s2  }
0xb: {  	[smem:$0x3FA4] =	sst s3  }
0xc: {  	[smem:$0x3FA5] =	sst s4  }
0xd: {  	[smem:$0x3FA6] =	sst s5  }
0xe: {  	[smem:$0x3FA7] =	sst s6  }
0xf: {  	[smem:$0x3FA8] =	sst s7  }
0x10: {  	[smem:$0x3FA9] =	sst s8  }
0x11: {  	[smem:$0x3FAA] =	sst s9;
	s0 =	simm.s32 @!p0 $0x0  }
0x12: {  	s1 =	sld [smem:$0x3F90];
	s0 =	simm.s32 @p0 $0x1  }
0x13: {  	[smem:$0x3FAB] =	sst s0;
	s0 =	simm.s32 @!p1 $0x0  }
0x14: {  	s2 =	sld [smem:$0x3F8F];
	s0 =	simm.s32 @p1 $0x1  }
0x15: {  	[smem:$0x3FAC] =	sst s0;
	s0 =	simm.s32 @!p2 $0x0  }
0x16: {  	s3 =	sld [smem:$0x3FDB];
	s0 =	simm.s32 @p2 $0x1  }
0x17: {  	s4 =	simm.s32 $0x1BF5;
	[smem:$0x3FAE] =	sst s0  }
0x18: {  	s0 =	sld [smem:$0x3F91];
	_ =	swait.ge [sflag:s4], $0x0  }
0x19: {  	s7 =	sld [smem:$0x3F92]  }
0x1a: {  	s8 =	sadd.s32 $0xFFFFE003, lr  }
0x1b: {  	s9 =	sadd.s32 $0xFFFFFEF7, lr;
	s5 =	simm.s32 $0xFFFFFFFF;
	p2 =	slt.u32 s8, $0xFFFFF086  }
0x1c: {  	p1 =	slt.u32 s9, $0xF7A;
	s5 =	simm.s32 @!p2 $0x0  }
0x1d: {  	s5 =	simm.s32 @p1 $0x1;
	p0 =	seq.s32 s7, s2  }
0x1e: {  	s7 =	smul.u32 @!p0 $0xF7A, s2;
	p2 =	seq.s32 @!p0 s5, $0x0  }
0x1f: {  	s9 =	smul.u32 $0xF7A, s1;
	s8 =	simm.s32 @!p0 $0x1BF5;
	p2 =	por !p2, p0  }
0x20: {  	[sflag:s8] =	ssyncset.s32 @!p0 $0xFFFFF086;
	s6 =	sadd.s32 @!p0 s3, s7;
	s7 =	simm.s32 @!p0 $0x108  }
0x21: {  	s3 =	sadd.s32 s3, s9;
	s6 =	sadd.s32 @!p0 $0x88, s6;
	s7 =	simm.s32 @p2 $0x1082  }
0x22: {  	[simem:s7], [sflag:s8] =	dma.local @!p0 [hbm:s6], $0xF7A  }
0x23: {  	s9 =	sor.u32 $0xD0000000, s2;
	s6 =	simm.s32 $0x108;
	_ =	swait.ge @!p0 [sflag:s8], $0x0  }
0x24: {  	s3 =	sadd.s32 $0x88, s3;
	s6 =	simm.s32 @!p1 $0x1082;
	[sflag:s4] =	ssyncset.s32 $0xFFFFF086  }
0x25: {  	[simem:s6], [sflag:s4] =	dma.local [hbm:s3], $0xF7A  }
0x26: {  	[smem:$0x3F92] =	sst s1;
	(tag) =	ssettag s2;
	_ =	strace s9  }
0x27: {  	s1 =	sld [smem:$0x3FA2]  }
0x28: {  	s2 =	sld [smem:$0x3FA3]  }
0x29: {  	s4 =	sld [smem:$0x3FA5]  }
0x2a: {  	p0 =	seq.s32 s5, $0x0;
	s5 =	sld [smem:$0x3FA6]  }
0x2b: {  	s6 =	sld [smem:$0x3FA7]  }
0x2c: {  	s7 =	sld [smem:$0x3FA8]  }
0x2d: {  	s3 =	simm.s32 $0x108;
	s8 =	sld [smem:$0x3FA9]  }
0x2e: {  	s3 =	simm.s32 @!p0 $0x1082;
	s9 =	sld [smem:$0x3FAA]  }
0x2f: {  	lr =	sadd.s32 s0, s3;
	s0 =	sld [smem:$0x3FA1]  }
0x30: {  	s3 =	sld [smem:$0x3FA4]  }
0x31: {  	[smem:$0x3FAD] =	sst s10  }
0x32: {  	s10 =	sld [smem:$0x3FAB];
	_ =	sdelay $0x3  }
0x33: {  	p0 =	seq.s32 s10, $0x1;
	s10 =	sld [smem:$0x3FAD];
	_ =	sdelay $0x3  }
0x34: {  	[smem:$0x3FAD] =	sst s10  }
0x35: {  	s10 =	sld [smem:$0x3FAC];
	_ =	sdelay $0x3  }
0x36: {  	p1 =	seq.s32 s10, $0x1;
	s10 =	sld [smem:$0x3FAD];
	_ =	sdelay $0x3  }
0x37: {  	[smem:$0x3FAD] =	sst s10  }
0x38: {  	s10 =	sld [smem:$0x3FAE]  }
0x39: {  	_ = 	snop;
	(pc) =	sbr.ind lr, $3  }
0x3a: {  	_ = 	snop  }
0x3b: {  	_ = 	snop  }
0x3c: {  	p2 =	seq.s32 s10, $0x1;
	s10 =	sld [smem:$0x3FAD]  }
0x3d: {  	_ =	shalt  }
0x3e: {  	_ =	shalt  }
0x3f: {  	_ =	shalt  }
0x40: {  	_ =	shalt  }
0x41: {  	_ =	shalt  }
0x42: {  	_ =	shalt  }
0x43: {  	_ =	shalt  }
0x44: {  	_ =	shalt  }
0x45: {  	_ =	shalt  }
0x46: {  	_ =	shalt  }
0x47: {  	_ =	shalt  }
0x48: {  	_ =	shalt  }
0x49: {  	_ =	shalt  }
0x4a: {  	_ =	shalt  }
0x4b: {  	_ =	shalt  }
0x4c: {  	_ =	shalt  }
0x4d: {  	_ =	shalt  }
0x4e: {  	_ =	shalt  }
0x4f: {  	_ =	shalt  }
0x50: {  	_ =	shalt  }
0x51: {  	_ =	shalt  }
0x52: {  	_ =	shalt  }
0x53: {  	_ =	shalt  }
0x54: {  	_ =	shalt  }
0x55: {  	_ =	shalt  }
0x56: {  	_ =	shalt  }
0x57: {  	_ =	shalt  }
0x58: {  	_ =	shalt  }
0x59: {  	_ =	shalt  }
0x5a: {  	_ =	shalt  }
0x5b: {  	_ =	shalt  }
0x5c: {  	_ =	shalt  }
0x5d: {  	_ =	shalt  }
0x5e: {  	_ =	shalt  }
0x5f: {  	_ =	shalt  }
0x60: {  	_ =	shalt  }
0x61: {  	_ =	shalt  }
0x62: {  	_ =	shalt  }
0x63: {  	_ =	shalt  }
0x64: {  	_ =	shalt  }
0x65: {  	_ =	shalt  }
0x66: {  	_ =	shalt  }
0x67: {  	_ =	shalt  }
0x68: {  	_ =	shalt  }
0x69: {  	_ =	shalt  }
0x6a: {  	_ =	shalt  }
0x6b: {  	_ =	shalt  }
0x6c: {  	_ =	shalt  }
0x6d: {  	_ =	shalt  }
0x6e: {  	_ =	shalt  }
0x6f: {  	_ =	shalt  }
0x70: {  	_ =	shalt  }
0x71: {  	_ =	shalt  }
0x72: {  	_ =	shalt  }
0x73: {  	_ =	shalt  }
0x74: {  	_ =	shalt  }
0x75: {  	_ =	shalt  }
0x76: {  	_ =	shalt  }
0x77: {  	_ =	shalt  }
0x78: {  	_ =	shalt  }
0x79: {  	_ =	shalt  }
0x7a: {  	_ =	shalt  }
0x7b: {  	_ =	shalt  }
0x7c: {  	_ =	shalt  }
0x7d: {  	_ =	shalt  }
0x7e: {  	_ =	shalt  }
0x7f: {  	_ =	shalt  }
0x80: {  	_ =	shalt  }
0x81: {  	_ =	shalt  }
0x82: {  	_ =	shalt  }
0x83: {  	_ =	shalt  }
0x84: {  	_ =	shalt  }
0x85: {  	_ =	shalt  }
0x86: {  	_ =	shalt  }
0x87: {  	_ =	shalt  }
.Lfunc_end0:
.L_simem_size_0:
called_computation.1_lowered:
.L_overlay_start_0:
0x88: {  	s2 =	sld [smem:$0x3FD9]  }
0x89: {  	s3 =	sld [smem:$0x3FFE];
	_ =	sdelay $0x1  }
0x8a: {  	s1 =	srdreg.scid  }
0x8b: {  	s0 =	sand.u32 $0x1, s1  }
0x8c: {  	s17 =	sshll.u32 s0, $0xA;
	s2 =	sadd.s32 s3, s2  }
0x8d: {  	s2 =	sadd.s32 s2, s17  }
0x8e: {  	[smem:$0x3FB9] =	sst s2  }
0x8f: {  	_ = 	snop  }
0x90: {  	s2 =	sld [smem:$0x3FD0];
	(tm) =	ssettm $0x1  }
0x91: {  	s18 =	sld [smem:$0x3FFB];
	_ =	sdelay $0x3  }
0x92: {  	_ =	strace s18  }
0x93: {  	s3 =	sld [smem:$0x3FFC];
	_ =	sdelay $0x3  }
0x94: {  	_ =	strace s3  }
0x95: {  	s3 =	sld [smem:$0x3FFD];
	_ =	sdelay $0x3  }
0x96: {  	_ =	strace s3  }
0x97: {  	_ =	strace $0x8FFFFFFF  }
0x98: {  	s19 =	sld [smem:$0x3FDB];
	_ =	sdelay $0x1  }
0x99: {  	s4 =	simm.s32 $_scs_section_size  }
0x9a: {  	s5 =	simm.s32 $_size__tile_overlayer_lowered;
	s6 =	simm.s32 $_tile_overlayer_lowered  }
0x9b: {  	s22 =	simm.s32 $0x1BFF;
	s21 =	sshll.u32 s6, $0x1;
	s3 =	sadd.s32 s4, s19  }
0x9c: {  	s7 =	simm.s32 $0x0;
	s20 =	sshll.u32 s5, $0x1;
	s5 =	sadd.s32 s21, s3  }
0x9d: {  	[timem:s7], [sflag:s22] =	dma.local [hbm:s5], s20  }
0x9e: {  	_ =	swait.ge [sflag:s22], s20  }
0x9f: {  	s4 =	ssub.s32 $0x0, s20;
	[sflag:s22] =	ssyncset.done $0x0  }
0xa0: {  	[sflag:s22] =	ssyncadd.s32 s4;
	_ =	sdelay $0x1  }
0xa1: {  	s23 =	simm.s32 $0x1B8B  }
0xa2: {  	_ =	swait.ge [sflag:s23], $0x1  }
0xa3: {  	[sflag:s23] =	ssyncset.done $0x0  }
0xa4: {  	s25 =	simm.s32 $0x1B8E;
	s24 =	sld [smem:$0x3FFE];
	[sflag:s23] =	ssyncadd.s32 $0xFFFFFFFF  }
0xa5: {  	s26 =	simm.s32 $execute0_lowered;
	[smem:$0x3FD2] =	sst s25  }
0xa6: {  	s5 =	sshll.u32 s26, $0x1;
	_ =	strace $0x80000049;
	[dreg:$0x1] =	wrdreg $0xFFFFFFFF  }
0xa7: {  	s28 =	simm.s32 $_size_execute0_lowered;
	s3 =	sadd.s32 s3, s5;
	[dreg:$0x0] =	wrdreg $0x0  }
0xa8: {  	s5 =	sshll.u32 s28, $0x1;
	[dreg:$0x2] =	wrdreg s3  }
0xa9: {  	[dreg:$0x3] =	wrdreg s5  }
0xaa: {  	[dreg:$0x4] =	wrdreg $0xC0  }
0xab: {  	_ =	task [dreg:s7], $0x5FFFF  }
0xac: {  	[dreg:$0x1] =	wrdreg $0xFFFFFFFF  }
0xad: {  	[dreg:$0x0] =	wrdreg $0x60  }
0xae: {  	[dreg:$0x2] =	wrdreg s2  }
0xaf: {  	[dreg:$0x3] =	wrdreg s24  }
0xb0: {  	[dreg:$0x4] =	wrdreg $0xBE500  }
0xb1: {  	[dreg:$0x5] =	wrdreg $0x9  }
0xb2: {  	_ =	task.clear_ibuf [dreg:s7], $0x6FFFF;
	_ =	strace $0x90000049  }
0xb3: {  	s29 =	simm.s32 $0x9;
	_ =	strace $0x8000004B  }
0xb4: {  	_ =	swait.ge [sflag:s29], $0x1  }
0xb5: {  	[sflag:s29] =	ssyncadd.s32 $0xFFFFFFFF  }
0xb6: {  	_ =	strace $0x9000004B  }
0xb7: {  	_ =	sfence  }
0xb8: {  	s30 =	sld [smem:$0x0];
	_ =	sdelay $0x2  }
0xb9: {  	s31 =	sshll.u32 s1, $0xD;
	s1 =	sshrl.u32 s1, $0x2  }
0xba: {  	s3 =	sand.u32 $0x4000, s31;
	s1 =	sadd.s32 s1, s30  }
0xbb: {  	s0 =	sor.u32 s3, s0;
	s1 =	sshll.u32 s1, $0x11  }
0xbc: {  	s0 =	sor.u32 s1, s0  }
0xbd: {  	s0 =	sadd.s32 $0x8F2B, s0  }
0xbe: {  	[sflag:s0] =	ssyncadd.remote.s32 $0x1  }
0xbf: {  	_ =	sfence.sel $0xFFFF  }
0xc0: {  	[dreg:$0x0] =	wrdreg $0xFFFFFFFF;
	(pc) =	sbr.abs _section_cstart, $3  }
0xc1: {  	[dreg:$0x1] =	wrdreg $0xFFFFFFFF  }
0xc2: {  	_ =	task.clear_ibuf [dreg:s7], $0x2FFFF;
	_ =	strace $0x9FFFFFFF  }
0xc3: {  	(tm) =	ssettm $0x7FFFFFFF  }
tec
execute0_lowered:
.L_overlay_start_1:
0x0: {  	(tag) =	ssettag $0x1  }
0x1: {  	s0 =	srdreg.scid;
	s6 =	rddreg [dreg:$0x1]  }
0x2: {  	s10 =	stileid.u32;
	s2 =	rddreg [dreg:$0x2];
	s3 =	simm.s32 $0x0  }
0x3: {  	s15 =	simm.s32 $0x6A50;
	s16 =	simm.s32 $0x70;
	s17 =	simm.s32 $0x8650  }
0x4: {  	s18 =	simm.s32 $0x0;
	s5 =	sand.u32 $0x1, s0;
	s0 =	rddreg [dreg:$0x0]  }
0x5: {  	s7 =	smul.u32 $0x13880, s10;
	[smem:$0x7FF] =	sst s3;
	s11 =	sshll.u32 s10, $0x6  }
0x6: {  	s14 =	sadd.s32 $0x138800, s2;
	p0 =	sne.s32 s10, $0x0;
	s1 =	sshll.u32 s5, $0x4  }
0x7: {  	s8 =	smul.u32 $0x138800, s5;
	s5 =	ssub.s32 $0x2, s5;
	s1 =	sor.u32 s10, s1  }
0x8: {  	s31 =	sshrl.u32 s5, $0x1;
	s13 =	sadd.s32 s7, s2;
	s4 =	smul.u32 $0x4E5, s1  }
0x9: {  	s1 =	rddreg [dreg:$0x3];
	_ =	strace $0x8000004A;
	s8 =	sadd.s32 s7, s8  }
0xa: {  	s12 =	ssub.s32 s5, s31;
	s5 =	sor.u32 $0x1C05, s11;
	s10 =	sshrl.u32 s13, $0x3  }
0xb: {  	s11 =	simm.s32 $0x5;
	s13 =	simm.s32 $0x38;
	s8 =	sshrl.u32 s8, $0x3  }
0xc: {  	s9 =	sadd.s32 s4, s6;
	s4 =	sadd.s32 $0x2600, s6;
	s8 =	sadd.s32 s8, s6  }
0xd: {  	s6 =	sadd.s32 $0x9CE00, s9;
	s7 =	sadd.s32 $0x93000, s9;
	s8 =	sadd.s32 $0x4E00, s8  }
0xe: {  	s9 =	smax.u32 s12, $0x1;
	s12 =	sshrl.u32 @!p0 s14, $0x3;
	s14 =	simm.s32 $0x4E50  }
.LBB2_1:
0xf: {  	[spmem:s10], [sflag:s5] =	dma.local [hbm:s4], $0x2710  }
0x10: {  	_ =	swait.ge [sflag:s11], $0x2710  }
0x11: {  	[sflag:s11] =	ssyncset.done $0x0  }
0x12: {  	s19 =	simm.s32 @!p0 $0x5;
	[sflag:s11] =	ssyncadd.s32 $0xFFFFD8F0  }
0x13: {  	[spmem:s12], [sflag:s5] =	dma.local @!p0 [hbm:s4], $0x80  }
0x14: {  	_ =	swait.ge @!p0 [sflag:s19], $0x80  }
0x15: {  	[sflag:s19] =	ssyncset.done @!p0 $0x0  }
0x16: {  	[sflag:s19] =	ssyncadd.s32 @!p0 $0xFFFFFF80  }
0x17: {  	[tilespmem:s3], [sflag:$0x5] =	stream.linear.gather [hbm4b:s6+s3], $0x2728, $0x38;
	[tilespmem:$0x1F710] =	vst v63  }
0x18: {  	_ =	swait.ge [sflag:s11], $0x2728  }
0x19: {  	[sflag:s11] =	ssyncset.done $0x0  }
0x1a: {  	s19 =	simm.s32 $0x2728;
	[sflag:s11] =	ssyncadd.s32 $0xFFFFD8D8  }
0x1b: {  	[tilespmem:s19], [sflag:$0x5] =	stream.linear.gather [hbm4b:s7+s3], $0x2728, $0x38;
	[tilespmem:$0x1F710] =	vst v63  }
0x1c: {  	s20 =	simm.s32 $0x3;
	p1 =	por $0x0, $0x0;
	_ =	swait.ge [sflag:s11], $0x2728  }
0x1d: {  	s21 =	simm.s32 $0x0;
	s23 =	simm.s32 $0xA8;
	[sflag:s11] =	ssyncset.done $0x0  }
0x1e: {  	s24 =	simm.s32 $0x4;
	s20 =	sand.u32 @!p1 $0x3, s20;
	[sflag:s11] =	ssyncadd.s32 $0xFFFFD8D8  }
0x1f: {  	s25 =	sand.u32 $0x3, s21;
	s22 =	smul.u32 @!p1 $0x7000, s20;
	[bflag:$0x0] =	sbarrier.arrive $0xFFFF  }
0x20: {  	[tilespmem:s14], [sflag:$0x1] =	stream.indirect.gather [hbm4b:s0+s13], $0x80, s3, s13, $0xb8;
	[tilespmem:$0x1F710] =	vst v63  }
0x21: {  	s28 =	simm.s32 @!p1 $0x38;
	s21 =	smul.u32 $0x7000, s25;
	s20 =	sadd.s32 @!p1 $0x1, s20  }
0x22: {  	[tilespmem:s15], [sflag:$0x2] =	stream.indirect.gather [hbm4b:s0+s13], $0x80, s13, s13, $0xb8;
	[tilespmem:$0x1F710] =	vst v63  }
0x23: {  	s29 =	sadd.s32 $0x1, s25;
	s26 =	sshrl.u32 @!p1 s22, $0x2;
	s22 =	simm.s32 $0x5  }
0x24: {  	[tilespmem:s17], [sflag:$0x3] =	stream.indirect.gather [hbm4b:s0+s13], $0x80, s16, s13, $0xb8;
	[tilespmem:$0x1F710] =	vst v63  }
0x25: {  	s31 =	sshrl.u32 s21, $0x2;
	s21 =	simm.s32 $0xE0;
	s26 =	sadd.s32 @!p1 $0x4E50, s26  }
0x26: {  	[tilespmem:s26], [sflag:s20] =	stream.indirect.gather @!p1 [hbm4b:s0+s28], $0x80, s23, s28, $0xb8;
	[tilespmem:$0x1F710] =	vst v63  }
0x27: {  	s20 =	simm.s32 $0x2760;
	s28 =	simm.s32 $0x1;
	s26 =	sadd.s32 $0x4E50, s31  }
0x28: {  	p1 =	por $0x0, $0x0;
	s23 =	sand.u32 $0x3, s28;
	_ =	swait.ge [sflag:s29], $0x1C00  }
0x29: {  	s25 =	sand.u32 @!p1 $0x3, s24;
	s24 =	smul.u32 $0x7000, s23;
	[sflag:s29] =	ssyncset.done $0x0  }
0x2a: {  	s28 =	smul.u32 @!p1 $0x7000, s25;
	s25 =	sadd.s32 @!p1 $0x1, s25;
	[sflag:s29] =	ssyncadd.s32 $0xFFFFE400  }
.LBB2_2:
0x2b: {  	[spmem:s2] =	stream.indirect.scatter.add.f32 [tilespmem:s26], [sflag:$0x5], $0x80, s19, s13, $0xb8;
	[tilespmem:$0x1F710] =	vst v63  }
0x2c: {  	s29 =	smov.u32 s22;
	s19 =	smov.u32 s20  }
0x2d: {  	s22 =	sadd.s32 $0x1, s22;
	s26 =	sshrl.u32 @!p1 s28, $0x2;
	_ =	swait.ge [sflag:s11], $0x1C00  }
0x2e: {  	p2 =	sne.s32 s22, $0xB6;
	s26 =	sadd.s32 @!p1 $0x4E50, s26;
	[sflag:s11] =	ssyncset.done $0x0  }
0x2f: {  	s20 =	sadd.s32 $0x38, s20;
	s28 =	simm.s32 @!p1 $0x38;
	[sflag:s11] =	ssyncadd.s32 $0xFFFFE400  }
0x30: {  	[tilespmem:s26], [sflag:s25] =	stream.indirect.gather @!p1 [hbm4b:s0+s28], $0x80, s21, s28, $0xb8;
	[tilespmem:$0x1F710] =	vst v63  }
.Ltmp0:
0x31: {  	s24 =	sshrl.u32 s24, $0x2;
	s21 =	sadd.s32 $0x38, s21;
	(pc) =	sbr.rel @p2 .LBB2_2-.Ltmp0, $4  }
0x32: {  	s30 =	sadd.s32 $0x1, s23;
	s25 =	sadd.s32 $0xFFFFFFFD, s29;
	s26 =	sadd.s32 $0x4E50, s24  }
0x33: {  	s23 =	sand.u32 $0x3, s25;
	p1 =	sgt.u32 s25, $0xAF;
	_ =	swait.ge [sflag:s30], $0x1C00  }
0x34: {  	s25 =	sand.u32 @!p1 $0x3, s29;
	s24 =	smul.u32 $0x7000, s23;
	[sflag:s30] =	ssyncset.done $0x0  }
0x35: {  	s28 =	smul.u32 @!p1 $0x7000, s25;
	s25 =	sadd.s32 @!p1 $0x1, s25;
	[sflag:s30] =	ssyncadd.s32 $0xFFFFE400  }
0x36: {  	[spmem:s2] =	stream.indirect.scatter.add.f32 [tilespmem:s26], [sflag:$0x5], $0x80, s19, s13, $0xb8;
	[tilespmem:$0x1F710] =	vst v63  }
0x37: {  	_ =	swait.ge [sflag:s11], $0x1C00  }
0x38: {  	s22 =	simm.s32 @!p1 $0x38;
	s19 =	sshrl.u32 @!p1 s28, $0x2;
	[sflag:s11] =	ssyncset.done $0x0  }
0x39: {  	s30 =	sadd.s32 $0x1, s23;
	s19 =	sadd.s32 @!p1 $0x4E50, s19;
	[sflag:s11] =	ssyncadd.s32 $0xFFFFE400  }
0x3a: {  	[tilespmem:s19], [sflag:s25] =	stream.indirect.gather @!p1 [hbm4b:s0+s22], $0x80, s21, s22, $0xb8;
	[tilespmem:$0x1F710] =	vst v63  }
0x3b: {  	_ =	swait.ge [sflag:s30], $0x1C00  }
0x3c: {  	s31 =	sshrl.u32 s24, $0x2;
	[sflag:s30] =	ssyncset.done $0x0  }
0x3d: {  	s21 =	sadd.s32 $0x4E50, s31;
	[sflag:s30] =	ssyncadd.s32 $0xFFFFE400  }
0x3e: {  	[spmem:s2] =	stream.indirect.scatter.add.f32 [tilespmem:s21], [sflag:$0x5], $0x80, s20, s13, $0xb8;
	[tilespmem:$0x1F710] =	vst v63  }
0x3f: {  	_ =	swait.ge [sflag:s11], $0x1C00  }
0x40: {  	s18 =	sadd.s32 $0x1, s18;
	[sflag:s11] =	ssyncset.done $0x0  }
0x41: {  	p1 =	sne.s32 s18, s9;
	[sflag:s11] =	ssyncadd.s32 $0xFFFFE400  }
.Ltmp1:
0x42: {  	[bflag:$0x0] =	sbarrier.arrive $0xFFFF;
	(pc) =	sbr.rel @p1 .LBB2_1-.Ltmp1, $4  }
0x43: {  	[hbm:s8], [sflag:s5] =	dma.local [spmem:s10], $0x2710  }
0x44: {  	_ =	swait.ge [sflag:s11], $0x2710  }
0x45: {  	[sflag:s11] =	ssyncset.done $0x0  }
0x46: {  	[sflag:s11] =	ssyncadd.s32 $0xFFFFD8F0  }
0x47: {  	_ =	sfence.sel $0x180000  }
0x48: {  	[bflag:$0x0] =	sbarrier.arrive $0xFFFF  }
0x49: {  	_ =	strace $0x9000004A  }
0x4a: {  	s0 =	sadd.s32 @!p0 $0x100000, s1;
	[bflag:$0x2] =	sbarrier.arrive $0xFFFF  }
0x4b: {  	[sflag:s0] =	ssyncadd.tile.s32 @!p0 $0x1;
	_ =	shalt  }
.Lfunc_end2:
_tile_overlayer_lowered:
.L_overlay_start_2:
0x4c: {  	(tag) =	ssettag $0x2  }
0x4d: {  	s0 =	rddreg [dreg:$0x0];
	s2 =	stileid.u32  }
0x4e: {  	s1 =	rddreg [dreg:$0x1];
	p0 =	sne.s32 s2, $0x0  }
0x4f: {  	s3 =	rddreg [dreg:$0x2];
	[bflag:$0x3] =	sbarrier.arrive $0xFFFF;
	s2 =	simm.s32 @!p0 $0x1C05  }
0x50: {  	[timem:s3], [sflag:s2] =	dma.local @!p0 [hbm:s0], s1  }
0x51: {  	s0 =	simm.s32 @!p0 $0x5  }
0x52: {  	_ =	swait.ge @!p0 [sflag:s0], s1  }
0x53: {  	s1 =	ssub.s32 @!p0 $0x0, s1;
	[sflag:s0] =	ssyncset.done @!p0 $0x0  }
0x54: {  	[sflag:s0] =	ssyncadd.s32 @!p0 s1  }
0x55: {  	[bflag:$0x3] =	sbarrier.arrive $0xFFFF  }
0x56: {  	_ =	shalt  }

// kernel: kernel.14.cloned.1.call-start
scs
__scs_entry_jumppad:
0x0: {  	(pc) =	sbr.rel $0x88, $3  }
0x1: {  	(tag) =	ssettag $0x0;
	lr =	simm.s32 $0x1  }
0x2: {  	[smem:$0x3F92] =	sst lr;
	_ =	strace $0xD0000000  }
0x3: {  	_ = 	snop  }
0x4: {  	_ = 	snop  }
0x5: {  	_ = 	snop  }
0x6: {  	_ = 	snop  }
0x7: {  	_ = 	snop  }
__scs_overlays_trampoline_lowered:
0x8: {  	[smem:$0x3FA1] =	sst s0  }
0x9: {  	[smem:$0x3FA2] =	sst s1  }
0xa: {  	[smem:$0x3FA3] =	sst s2  }
0xb: {  	[smem:$0x3FA4] =	sst s3  }
0xc: {  	[smem:$0x3FA5] =	sst s4  }
0xd: {  	[smem:$0x3FA6] =	sst s5  }
0xe: {  	[smem:$0x3FA7] =	sst s6  }
0xf: {  	[smem:$0x3FA8] =	sst s7  }
0x10: {  	[smem:$0x3FA9] =	sst s8  }
0x11: {  	[smem:$0x3FAA] =	sst s9;
	s0 =	simm.s32 @!p0 $0x0  }
0x12: {  	s1 =	sld [smem:$0x3F90];
	s0 =	simm.s32 @p0 $0x1  }
0x13: {  	[smem:$0x3FAB] =	sst s0;
	s0 =	simm.s32 @!p1 $0x0  }
0x14: {  	s2 =	sld [smem:$0x3F8F];
	s0 =	simm.s32 @p1 $0x1  }
0x15: {  	[smem:$0x3FAC] =	sst s0;
	s0 =	simm.s32 @!p2 $0x0  }
0x16: {  	s3 =	sld [smem:$0x3FDB];
	s0 =	simm.s32 @p2 $0x1  }
0x17: {  	s4 =	simm.s32 $0x1BF5;
	[smem:$0x3FAE] =	sst s0  }
0x18: {  	s0 =	sld [smem:$0x3F91];
	_ =	swait.ge [sflag:s4], $0x0  }
0x19: {  	s7 =	sld [smem:$0x3F92]  }
0x1a: {  	s8 =	sadd.s32 $0xFFFFE003, lr  }
0x1b: {  	s9 =	sadd.s32 $0xFFFFFEF7, lr;
	s5 =	simm.s32 $0xFFFFFFFF;
	p2 =	slt.u32 s8, $0xFFFFF086  }
0x1c: {  	p1 =	slt.u32 s9, $0xF7A;
	s5 =	simm.s32 @!p2 $0x0  }
0x1d: {  	s5 =	simm.s32 @p1 $0x1;
	p0 =	seq.s32 s7, s2  }
0x1e: {  	s7 =	smul.u32 @!p0 $0xF7A, s2;
	p2 =	seq.s32 @!p0 s5, $0x0  }
0x1f: {  	s9 =	smul.u32 $0xF7A, s1;
	s8 =	simm.s32 @!p0 $0x1BF5;
	p2 =	por !p2, p0  }
0x20: {  	[sflag:s8] =	ssyncset.s32 @!p0 $0xFFFFF086;
	s6 =	sadd.s32 @!p0 s3, s7;
	s7 =	simm.s32 @!p0 $0x108  }
0x21: {  	s3 =	sadd.s32 s3, s9;
	s6 =	sadd.s32 @!p0 $0x88, s6;
	s7 =	simm.s32 @p2 $0x1082  }
0x22: {  	[simem:s7], [sflag:s8] =	dma.local @!p0 [hbm:s6], $0xF7A  }
0x23: {  	s9 =	sor.u32 $0xD0000000, s2;
	s6 =	simm.s32 $0x108;
	_ =	swait.ge @!p0 [sflag:s8], $0x0  }
0x24: {  	s3 =	sadd.s32 $0x88, s3;
	s6 =	simm.s32 @!p1 $0x1082;
	[sflag:s4] =	ssyncset.s32 $0xFFFFF086  }
0x25: {  	[simem:s6], [sflag:s4] =	dma.local [hbm:s3], $0xF7A  }
0x26: {  	[smem:$0x3F92] =	sst s1;
	(tag) =	ssettag s2;
	_ =	strace s9  }
0x27: {  	s1 =	sld [smem:$0x3FA2]  }
0x28: {  	s2 =	sld [smem:$0x3FA3]  }
0x29: {  	s4 =	sld [smem:$0x3FA5]  }
0x2a: {  	p0 =	seq.s32 s5, $0x0;
	s5 =	sld [smem:$0x3FA6]  }
0x2b: {  	s6 =	sld [smem:$0x3FA7]  }
0x2c: {  	s7 =	sld [smem:$0x3FA8]  }
0x2d: {  	s3 =	simm.s32 $0x108;
	s8 =	sld [smem:$0x3FA9]  }
0x2e: {  	s3 =	simm.s32 @!p0 $0x1082;
	s9 =	sld [smem:$0x3FAA]  }
0x2f: {  	lr =	sadd.s32 s0, s3;
	s0 =	sld [smem:$0x3FA1]  }
0x30: {  	s3 =	sld [smem:$0x3FA4]  }
0x31: {  	[smem:$0x3FAD] =	sst s10  }
0x32: {  	s10 =	sld [smem:$0x3FAB];
	_ =	sdelay $0x3  }
0x33: {  	p0 =	seq.s32 s10, $0x1;
	s10 =	sld [smem:$0x3FAD];
	_ =	sdelay $0x3  }
0x34: {  	[smem:$0x3FAD] =	sst s10  }
0x35: {  	s10 =	sld [smem:$0x3FAC];
	_ =	sdelay $0x3  }
0x36: {  	p1 =	seq.s32 s10, $0x1;
	s10 =	sld [smem:$0x3FAD];
	_ =	sdelay $0x3  }
0x37: {  	[smem:$0x3FAD] =	sst s10  }
0x38: {  	s10 =	sld [smem:$0x3FAE]  }
0x39: {  	_ = 	snop;
	(pc) =	sbr.ind lr, $3  }
0x3a: {  	_ = 	snop  }
0x3b: {  	_ = 	snop  }
0x3c: {  	p2 =	seq.s32 s10, $0x1;
	s10 =	sld [smem:$0x3FAD]  }
0x3d: {  	_ =	shalt  }
0x3e: {  	_ =	shalt  }
0x3f: {  	_ =	shalt  }
0x40: {  	_ =	shalt  }
0x41: {  	_ =	shalt  }
0x42: {  	_ =	shalt  }
0x43: {  	_ =	shalt  }
0x44: {  	_ =	shalt  }
0x45: {  	_ =	shalt  }
0x46: {  	_ =	shalt  }
0x47: {  	_ =	shalt  }
0x48: {  	_ =	shalt  }
0x49: {  	_ =	shalt  }
0x4a: {  	_ =	shalt  }
0x4b: {  	_ =	shalt  }
0x4c: {  	_ =	shalt  }
0x4d: {  	_ =	shalt  }
0x4e: {  	_ =	shalt  }
0x4f: {  	_ =	shalt  }
0x50: {  	_ =	shalt  }
0x51: {  	_ =	shalt  }
0x52: {  	_ =	shalt  }
0x53: {  	_ =	shalt  }
0x54: {  	_ =	shalt  }
0x55: {  	_ =	shalt  }
0x56: {  	_ =	shalt  }
0x57: {  	_ =	shalt  }
0x58: {  	_ =	shalt  }
0x59: {  	_ =	shalt  }
0x5a: {  	_ =	shalt  }
0x5b: {  	_ =	shalt  }
0x5c: {  	_ =	shalt  }
0x5d: {  	_ =	shalt  }
0x5e: {  	_ =	shalt  }
0x5f: {  	_ =	shalt  }
0x60: {  	_ =	shalt  }
0x61: {  	_ =	shalt  }
0x62: {  	_ =	shalt  }
0x63: {  	_ =	shalt  }
0x64: {  	_ =	shalt  }
0x65: {  	_ =	shalt  }
0x66: {  	_ =	shalt  }
0x67: {  	_ =	shalt  }
0x68: {  	_ =	shalt  }
0x69: {  	_ =	shalt  }
0x6a: {  	_ =	shalt  }
0x6b: {  	_ =	shalt  }
0x6c: {  	_ =	shalt  }
0x6d: {  	_ =	shalt  }
0x6e: {  	_ =	shalt  }
0x6f: {  	_ =	shalt  }
0x70: {  	_ =	shalt  }
0x71: {  	_ =	shalt  }
0x72: {  	_ =	shalt  }
0x73: {  	_ =	shalt  }
0x74: {  	_ =	shalt  }
0x75: {  	_ =	shalt  }
0x76: {  	_ =	shalt  }
0x77: {  	_ =	shalt  }
0x78: {  	_ =	shalt  }
0x79: {  	_ =	shalt  }
0x7a: {  	_ =	shalt  }
0x7b: {  	_ =	shalt  }
0x7c: {  	_ =	shalt  }
0x7d: {  	_ =	shalt  }
0x7e: {  	_ =	shalt  }
0x7f: {  	_ =	shalt  }
0x80: {  	_ =	shalt  }
0x81: {  	_ =	shalt  }
0x82: {  	_ =	shalt  }
0x83: {  	_ =	shalt  }
0x84: {  	_ =	shalt  }
0x85: {  	_ =	shalt  }
0x86: {  	_ =	shalt  }
0x87: {  	_ =	shalt  }
.Lfunc_end0:
.L_simem_size_0:
called_computation.2_lowered:
.L_overlay_start_0:
0x88: {  	s2 =	sld [smem:$0x3FD9]  }
0x89: {  	s3 =	sld [smem:$0x3FFE];
	_ =	sdelay $0x1  }
0x8a: {  	s1 =	srdreg.scid  }
0x8b: {  	s0 =	sand.u32 $0x1, s1  }
0x8c: {  	s17 =	sshll.u32 s0, $0xA;
	s2 =	sadd.s32 s3, s2  }
0x8d: {  	s2 =	sadd.s32 s2, s17  }
0x8e: {  	[smem:$0x3FB9] =	sst s2  }
0x8f: {  	_ = 	snop  }
0x90: {  	s2 =	sld [smem:$0x3FD0];
	(tm) =	ssettm $0x1  }
0x91: {  	s18 =	sld [smem:$0x3FFB];
	_ =	sdelay $0x3  }
0x92: {  	_ =	strace s18  }
0x93: {  	s3 =	sld [smem:$0x3FFC];
	_ =	sdelay $0x3  }
0x94: {  	_ =	strace s3  }
0x95: {  	s3 =	sld [smem:$0x3FFD];
	_ =	sdelay $0x3  }
0x96: {  	_ =	strace s3  }
0x97: {  	_ =	strace $0x8FFFFFFF  }
0x98: {  	s19 =	sld [smem:$0x3FDB];
	_ =	sdelay $0x1  }
0x99: {  	s4 =	simm.s32 $_scs_section_size  }
0x9a: {  	s5 =	simm.s32 $_size__tile_overlayer_lowered;
	s6 =	simm.s32 $_tile_overlayer_lowered  }
0x9b: {  	s22 =	simm.s32 $0x1BFF;
	s21 =	sshll.u32 s6, $0x1;
	s3 =	sadd.s32 s4, s19  }
0x9c: {  	s7 =	simm.s32 $0x0;
	s20 =	sshll.u32 s5, $0x1;
	s5 =	sadd.s32 s21, s3  }
0x9d: {  	[timem:s7], [sflag:s22] =	dma.local [hbm:s5], s20  }
0x9e: {  	_ =	swait.ge [sflag:s22], s20  }
0x9f: {  	s4 =	ssub.s32 $0x0, s20;
	[sflag:s22] =	ssyncset.done $0x0  }
0xa0: {  	[sflag:s22] =	ssyncadd.s32 s4;
	_ =	sdelay $0x1  }
0xa1: {  	s23 =	simm.s32 $0x1B8B  }
0xa2: {  	_ =	swait.ge [sflag:s23], $0x1  }
0xa3: {  	[sflag:s23] =	ssyncset.done $0x0  }
0xa4: {  	s25 =	simm.s32 $0x1B8E;
	s24 =	sld [smem:$0x3FFE];
	[sflag:s23] =	ssyncadd.s32 $0xFFFFFFFF  }
0xa5: {  	s26 =	simm.s32 $execute0_lowered;
	[smem:$0x3FD2] =	sst s25  }
0xa6: {  	s5 =	sshll.u32 s26, $0x1;
	_ =	strace $0x8000004C;
	[dreg:$0x1] =	wrdreg $0xFFFFFFFF  }
0xa7: {  	s28 =	simm.s32 $_size_execute0_lowered;
	s3 =	sadd.s32 s3, s5;
	[dreg:$0x0] =	wrdreg $0x0  }
0xa8: {  	s5 =	sshll.u32 s28, $0x1;
	[dreg:$0x2] =	wrdreg s3  }
0xa9: {  	[dreg:$0x3] =	wrdreg s5  }
0xaa: {  	[dreg:$0x4] =	wrdreg $0xC0  }
0xab: {  	_ =	task [dreg:s7], $0x5FFFF  }
0xac: {  	[dreg:$0x1] =	wrdreg $0xFFFFFFFF  }
0xad: {  	[dreg:$0x0] =	wrdreg $0x60  }
0xae: {  	[dreg:$0x2] =	wrdreg s2  }
0xaf: {  	[dreg:$0x3] =	wrdreg s24  }
0xb0: {  	[dreg:$0x4] =	wrdreg $0xBE500  }
0xb1: {  	[dreg:$0x5] =	wrdreg $0x9  }
0xb2: {  	_ =	task.clear_ibuf [dreg:s7], $0x6FFFF;
	_ =	strace $0x9000004C  }
0xb3: {  	s29 =	simm.s32 $0x9;
	_ =	strace $0x8000004E  }
0xb4: {  	_ =	swait.ge [sflag:s29], $0x1  }
0xb5: {  	[sflag:s29] =	ssyncadd.s32 $0xFFFFFFFF  }
0xb6: {  	_ =	strace $0x9000004E  }
0xb7: {  	_ =	sfence  }
0xb8: {  	s30 =	sld [smem:$0x0];
	_ =	sdelay $0x2  }
0xb9: {  	s31 =	sshll.u32 s1, $0xD;
	s1 =	sshrl.u32 s1, $0x2  }
0xba: {  	s3 =	sand.u32 $0x4000, s31;
	s1 =	sadd.s32 s1, s30  }
0xbb: {  	s0 =	sor.u32 s3, s0;
	s1 =	sshll.u32 s1, $0x11  }
0xbc: {  	s0 =	sor.u32 s1, s0  }
0xbd: {  	s0 =	sadd.s32 $0x8F2B, s0  }
0xbe: {  	[sflag:s0] =	ssyncadd.remote.s32 $0x1  }
0xbf: {  	_ =	sfence.sel $0xFFFF  }
0xc0: {  	[dreg:$0x0] =	wrdreg $0xFFFFFFFF;
	(pc) =	sbr.abs _section_cstart, $3  }
0xc1: {  	[dreg:$0x1] =	wrdreg $0xFFFFFFFF  }
0xc2: {  	_ =	task.clear_ibuf [dreg:s7], $0x2FFFF;
	_ =	strace $0x9FFFFFFF  }
0xc3: {  	(tm) =	ssettm $0x7FFFFFFF  }
tec
execute0_lowered:
.L_overlay_start_1:
0x0: {  	(tag) =	ssettag $0x1  }
0x1: {  	s0 =	srdreg.scid;
	s6 =	rddreg [dreg:$0x1]  }
0x2: {  	s10 =	stileid.u32;
	s2 =	rddreg [dreg:$0x2];
	s3 =	simm.s32 $0x0  }
0x3: {  	s15 =	simm.s32 $0x6A50;
	s16 =	simm.s32 $0x70;
	s17 =	simm.s32 $0x8650  }
0x4: {  	s18 =	simm.s32 $0x0;
	s5 =	sand.u32 $0x1, s0;
	s0 =	rddreg [dreg:$0x0]  }
0x5: {  	s7 =	smul.u32 $0x13880, s10;
	[smem:$0x7FF] =	sst s3;
	s11 =	sshll.u32 s10, $0x6  }
0x6: {  	s14 =	sadd.s32 $0x138800, s2;
	p0 =	sne.s32 s10, $0x0;
	s1 =	sshll.u32 s5, $0x4  }
0x7: {  	s8 =	smul.u32 $0x138800, s5;
	s5 =	ssub.s32 $0x2, s5;
	s1 =	sor.u32 s10, s1  }
0x8: {  	s31 =	sshrl.u32 s5, $0x1;
	s13 =	sadd.s32 s7, s2;
	s4 =	smul.u32 $0x4E5, s1  }
0x9: {  	s1 =	rddreg [dreg:$0x3];
	_ =	strace $0x8000004D;
	s8 =	sadd.s32 s7, s8  }
0xa: {  	s12 =	ssub.s32 s5, s31;
	s5 =	sor.u32 $0x1C05, s11;
	s10 =	sshrl.u32 s13, $0x3  }
0xb: {  	s11 =	simm.s32 $0x5;
	s13 =	simm.s32 $0x38;
	s8 =	sshrl.u32 s8, $0x3  }
0xc: {  	s9 =	sadd.s32 s4, s6;
	s4 =	sadd.s32 $0x2600, s6;
	s8 =	sadd.s32 s8, s6  }
0xd: {  	s6 =	sadd.s32 $0x9CE00, s9;
	s7 =	sadd.s32 $0x93000, s9;
	s8 =	sadd.s32 $0x4E00, s8  }
0xe: {  	s9 =	smax.u32 s12, $0x1;
	s12 =	sshrl.u32 @!p0 s14, $0x3;
	s14 =	simm.s32 $0x4E50  }
.LBB2_1:
0xf: {  	[spmem:s10], [sflag:s5] =	dma.local [hbm:s4], $0x2710  }
0x10: {  	_ =	swait.ge [sflag:s11], $0x2710  }
0x11: {  	[sflag:s11] =	ssyncset.done $0x0  }
0x12: {  	s19 =	simm.s32 @!p0 $0x5;
	[sflag:s11] =	ssyncadd.s32 $0xFFFFD8F0  }
0x13: {  	[spmem:s12], [sflag:s5] =	dma.local @!p0 [hbm:s4], $0x80  }
0x14: {  	_ =	swait.ge @!p0 [sflag:s19], $0x80  }
0x15: {  	[sflag:s19] =	ssyncset.done @!p0 $0x0  }
0x16: {  	[sflag:s19] =	ssyncadd.s32 @!p0 $0xFFFFFF80  }
0x17: {  	[tilespmem:s3], [sflag:$0x5] =	stream.linear.gather [hbm4b:s6+s3], $0x2728, $0x38;
	[tilespmem:$0x1F710] =	vst v63  }
0x18: {  	_ =	swait.ge [sflag:s11], $0x2728  }
0x19: {  	[sflag:s11] =	ssyncset.done $0x0  }
0x1a: {  	s19 =	simm.s32 $0x2728;
	[sflag:s11] =	ssyncadd.s32 $0xFFFFD8D8  }
0x1b: {  	[tilespmem:s19], [sflag:$0x5] =	stream.linear.gather [hbm4b:s7+s3], $0x2728, $0x38;
	[tilespmem:$0x1F710] =	vst v63  }
0x1c: {  	s20 =	simm.s32 $0x3;
	p1 =	por $0x0, $0x0;
	_ =	swait.ge [sflag:s11], $0x2728  }
0x1d: {  	s21 =	simm.s32 $0x0;
	s23 =	simm.s32 $0xA8;
	[sflag:s11] =	ssyncset.done $0x0  }
0x1e: {  	s24 =	simm.s32 $0x4;
	s20 =	sand.u32 @!p1 $0x3, s20;
	[sflag:s11] =	ssyncadd.s32 $0xFFFFD8D8  }
0x1f: {  	s25 =	sand.u32 $0x3, s21;
	s22 =	smul.u32 @!p1 $0x7000, s20;
	[bflag:$0x0] =	sbarrier.arrive $0xFFFF  }
0x20: {  	[tilespmem:s14], [sflag:$0x1] =	stream.indirect.gather [hbm4b:s0+s13], $0x80, s3, s13, $0xb8;
	[tilespmem:$0x1F710] =	vst v63  }
0x21: {  	s28 =	simm.s32 @!p1 $0x38;
	s21 =	smul.u32 $0x7000, s25;
	s20 =	sadd.s32 @!p1 $0x1, s20  }
0x22: {  	[tilespmem:s15], [sflag:$0x2] =	stream.indirect.gather [hbm4b:s0+s13], $0x80, s13, s13, $0xb8;
	[tilespmem:$0x1F710] =	vst v63  }
0x23: {  	s29 =	sadd.s32 $0x1, s25;
	s26 =	sshrl.u32 @!p1 s22, $0x2;
	s22 =	simm.s32 $0x5  }
0x24: {  	[tilespmem:s17], [sflag:$0x3] =	stream.indirect.gather [hbm4b:s0+s13], $0x80, s16, s13, $0xb8;
	[tilespmem:$0x1F710] =	vst v63  }
0x25: {  	s31 =	sshrl.u32 s21, $0x2;
	s21 =	simm.s32 $0xE0;
	s26 =	sadd.s32 @!p1 $0x4E50, s26  }
0x26: {  	[tilespmem:s26], [sflag:s20] =	stream.indirect.gather @!p1 [hbm4b:s0+s28], $0x80, s23, s28, $0xb8;
	[tilespmem:$0x1F710] =	vst v63  }
0x27: {  	s20 =	simm.s32 $0x2760;
	s28 =	simm.s32 $0x1;
	s26 =	sadd.s32 $0x4E50, s31  }
0x28: {  	p1 =	por $0x0, $0x0;
	s23 =	sand.u32 $0x3, s28;
	_ =	swait.ge [sflag:s29], $0x1C00  }
0x29: {  	s25 =	sand.u32 @!p1 $0x3, s24;
	s24 =	smul.u32 $0x7000, s23;
	[sflag:s29] =	ssyncset.done $0x0  }
0x2a: {  	s28 =	smul.u32 @!p1 $0x7000, s25;
	s25 =	sadd.s32 @!p1 $0x1, s25;
	[sflag:s29] =	ssyncadd.s32 $0xFFFFE400  }
.LBB2_2:
0x2b: {  	[spmem:s2] =	stream.indirect.scatter.add.f32 [tilespmem:s26], [sflag:$0x5], $0x80, s19, s13, $0xb8;
	[tilespmem:$0x1F710] =	vst v63  }
0x2c: {  	s29 =	smov.u32 s22;
	s19 =	smov.u32 s20  }
0x2d: {  	s22 =	sadd.s32 $0x1, s22;
	s26 =	sshrl.u32 @!p1 s28, $0x2;
	_ =	swait.ge [sflag:s11], $0x1C00  }
0x2e: {  	p2 =	sne.s32 s22, $0xB6;
	s26 =	sadd.s32 @!p1 $0x4E50, s26;
	[sflag:s11] =	ssyncset.done $0x0  }
0x2f: {  	s20 =	sadd.s32 $0x38, s20;
	s28 =	simm.s32 @!p1 $0x38;
	[sflag:s11] =	ssyncadd.s32 $0xFFFFE400  }
0x30: {  	[tilespmem:s26], [sflag:s25] =	stream.indirect.gather @!p1 [hbm4b:s0+s28], $0x80, s21, s28, $0xb8;
	[tilespmem:$0x1F710] =	vst v63  }
.Ltmp0:
0x31: {  	s24 =	sshrl.u32 s24, $0x2;
	s21 =	sadd.s32 $0x38, s21;
	(pc) =	sbr.rel @p2 .LBB2_2-.Ltmp0, $4  }
0x32: {  	s30 =	sadd.s32 $0x1, s23;
	s25 =	sadd.s32 $0xFFFFFFFD, s29;
	s26 =	sadd.s32 $0x4E50, s24  }
0x33: {  	s23 =	sand.u32 $0x3, s25;
	p1 =	sgt.u32 s25, $0xAF;
	_ =	swait.ge [sflag:s30], $0x1C00  }
0x34: {  	s25 =	sand.u32 @!p1 $0x3, s29;
	s24 =	smul.u32 $0x7000, s23;
	[sflag:s30] =	ssyncset.done $0x0  }
0x35: {  	s28 =	smul.u32 @!p1 $0x7000, s25;
	s25 =	sadd.s32 @!p1 $0x1, s25;
	[sflag:s30] =	ssyncadd.s32 $0xFFFFE400  }
0x36: {  	[spmem:s2] =	stream.indirect.scatter.add.f32 [tilespmem:s26], [sflag:$0x5], $0x80, s19, s13, $0xb8;
	[tilespmem:$0x1F710] =	vst v63  }
0x37: {  	_ =	swait.ge [sflag:s11], $0x1C00  }
0x38: {  	s22 =	simm.s32 @!p1 $0x38;
	s19 =	sshrl.u32 @!p1 s28, $0x2;
	[sflag:s11] =	ssyncset.done $0x0  }
0x39: {  	s30 =	sadd.s32 $0x1, s23;
	s19 =	sadd.s32 @!p1 $0x4E50, s19;
	[sflag:s11] =	ssyncadd.s32 $0xFFFFE400  }
0x3a: {  	[tilespmem:s19], [sflag:s25] =	stream.indirect.gather @!p1 [hbm4b:s0+s22], $0x80, s21, s22, $0xb8;
	[tilespmem:$0x1F710] =	vst v63  }
0x3b: {  	_ =	swait.ge [sflag:s30], $0x1C00  }
0x3c: {  	s31 =	sshrl.u32 s24, $0x2;
	[sflag:s30] =	ssyncset.done $0x0  }
0x3d: {  	s21 =	sadd.s32 $0x4E50, s31;
	[sflag:s30] =	ssyncadd.s32 $0xFFFFE400  }
0x3e: {  	[spmem:s2] =	stream.indirect.scatter.add.f32 [tilespmem:s21], [sflag:$0x5], $0x80, s20, s13, $0xb8;
	[tilespmem:$0x1F710] =	vst v63  }
0x3f: {  	_ =	swait.ge [sflag:s11], $0x1C00  }
0x40: {  	s18 =	sadd.s32 $0x1, s18;
	[sflag:s11] =	ssyncset.done $0x0  }
0x41: {  	p1 =	sne.s32 s18, s9;
	[sflag:s11] =	ssyncadd.s32 $0xFFFFE400  }
.Ltmp1:
0x42: {  	[bflag:$0x0] =	sbarrier.arrive $0xFFFF;
	(pc) =	sbr.rel @p1 .LBB2_1-.Ltmp1, $4  }
0x43: {  	[hbm:s8], [sflag:s5] =	dma.local [spmem:s10], $0x2710  }
0x44: {  	_ =	swait.ge [sflag:s11], $0x2710  }
0x45: {  	[sflag:s11] =	ssyncset.done $0x0  }
0x46: {  	[sflag:s11] =	ssyncadd.s32 $0xFFFFD8F0  }
0x47: {  	_ =	sfence.sel $0x180000  }
0x48: {  	[bflag:$0x0] =	sbarrier.arrive $0xFFFF  }
0x49: {  	_ =	strace $0x9000004D  }
0x4a: {  	s0 =	sadd.s32 @!p0 $0x100000, s1;
	[bflag:$0x2] =	sbarrier.arrive $0xFFFF  }
0x4b: {  	[sflag:s0] =	ssyncadd.tile.s32 @!p0 $0x1;
	_ =	shalt  }
.Lfunc_end2:
_tile_overlayer_lowered:
.L_overlay_start_2:
0x4c: {  	(tag) =	ssettag $0x2  }
0x4d: {  	s0 =	rddreg [dreg:$0x0];
	s2 =	stileid.u32  }
0x4e: {  	s1 =	rddreg [dreg:$0x1];
	p0 =	sne.s32 s2, $0x0  }
0x4f: {  	s3 =	rddreg [dreg:$0x2];
	[bflag:$0x3] =	sbarrier.arrive $0xFFFF;
	s2 =	simm.s32 @!p0 $0x1C05  }
0x50: {  	[timem:s3], [sflag:s2] =	dma.local @!p0 [hbm:s0], s1  }
0x51: {  	s0 =	simm.s32 @!p0 $0x5  }
0x52: {  	_ =	swait.ge @!p0 [sflag:s0], s1  }
0x53: {  	s1 =	ssub.s32 @!p0 $0x0, s1;
	[sflag:s0] =	ssyncset.done @!p0 $0x0  }
0x54: {  	[sflag:s0] =	ssyncadd.s32 @!p0 s1  }
0x55: {  	[bflag:$0x3] =	sbarrier.arrive $0xFFFF  }
0x56: {  	_ =	shalt  }

// kernel: kernel.8.cloned.1.call-start
scs
__scs_entry_jumppad:
0x0: {  	(pc) =	sbr.rel $0x88, $3  }
0x1: {  	(tag) =	ssettag $0x0;
	lr =	simm.s32 $0x1  }
0x2: {  	[smem:$0x3F92] =	sst lr;
	_ =	strace $0xD0000000  }
0x3: {  	_ = 	snop  }
0x4: {  	_ = 	snop  }
0x5: {  	_ = 	snop  }
0x6: {  	_ = 	snop  }
0x7: {  	_ = 	snop  }
__scs_overlays_trampoline_lowered:
0x8: {  	[smem:$0x3FA1] =	sst s0  }
0x9: {  	[smem:$0x3FA2] =	sst s1  }
0xa: {  	[smem:$0x3FA3] =	sst s2  }
0xb: {  	[smem:$0x3FA4] =	sst s3  }
0xc: {  	[smem:$0x3FA5] =	sst s4  }
0xd: {  	[smem:$0x3FA6] =	sst s5  }
0xe: {  	[smem:$0x3FA7] =	sst s6  }
0xf: {  	[smem:$0x3FA8] =	sst s7  }
0x10: {  	[smem:$0x3FA9] =	sst s8  }
0x11: {  	[smem:$0x3FAA] =	sst s9;
	s0 =	simm.s32 @!p0 $0x0  }
0x12: {  	s1 =	sld [smem:$0x3F90];
	s0 =	simm.s32 @p0 $0x1  }
0x13: {  	[smem:$0x3FAB] =	sst s0;
	s0 =	simm.s32 @!p1 $0x0  }
0x14: {  	s2 =	sld [smem:$0x3F8F];
	s0 =	simm.s32 @p1 $0x1  }
0x15: {  	[smem:$0x3FAC] =	sst s0;
	s0 =	simm.s32 @!p2 $0x0  }
0x16: {  	s3 =	sld [smem:$0x3FDB];
	s0 =	simm.s32 @p2 $0x1  }
0x17: {  	s4 =	simm.s32 $0x1BF5;
	[smem:$0x3FAE] =	sst s0  }
0x18: {  	s0 =	sld [smem:$0x3F91];
	_ =	swait.ge [sflag:s4], $0x0  }
0x19: {  	s7 =	sld [smem:$0x3F92]  }
0x1a: {  	s8 =	sadd.s32 $0xFFFFE003, lr  }
0x1b: {  	s9 =	sadd.s32 $0xFFFFFEF7, lr;
	s5 =	simm.s32 $0xFFFFFFFF;
	p2 =	slt.u32 s8, $0xFFFFF086  }
0x1c: {  	p1 =	slt.u32 s9, $0xF7A;
	s5 =	simm.s32 @!p2 $0x0  }
0x1d: {  	s5 =	simm.s32 @p1 $0x1;
	p0 =	seq.s32 s7, s2  }
0x1e: {  	s7 =	smul.u32 @!p0 $0xF7A, s2;
	p2 =	seq.s32 @!p0 s5, $0x0  }
0x1f: {  	s9 =	smul.u32 $0xF7A, s1;
	s8 =	simm.s32 @!p0 $0x1BF5;
	p2 =	por !p2, p0  }
0x20: {  	[sflag:s8] =	ssyncset.s32 @!p0 $0xFFFFF086;
	s6 =	sadd.s32 @!p0 s3, s7;
	s7 =	simm.s32 @!p0 $0x108  }
0x21: {  	s3 =	sadd.s32 s3, s9;
	s6 =	sadd.s32 @!p0 $0x88, s6;
	s7 =	simm.s32 @p2 $0x1082  }
0x22: {  	[simem:s7], [sflag:s8] =	dma.local @!p0 [hbm:s6], $0xF7A  }
0x23: {  	s9 =	sor.u32 $0xD0000000, s2;
	s6 =	simm.s32 $0x108;
	_ =	swait.ge @!p0 [sflag:s8], $0x0  }
0x24: {  	s3 =	sadd.s32 $0x88, s3;
	s6 =	simm.s32 @!p1 $0x1082;
	[sflag:s4] =	ssyncset.s32 $0xFFFFF086  }
0x25: {  	[simem:s6], [sflag:s4] =	dma.local [hbm:s3], $0xF7A  }
0x26: {  	[smem:$0x3F92] =	sst s1;
	(tag) =	ssettag s2;
	_ =	strace s9  }
0x27: {  	s1 =	sld [smem:$0x3FA2]  }
0x28: {  	s2 =	sld [smem:$0x3FA3]  }
0x29: {  	s4 =	sld [smem:$0x3FA5]  }
0x2a: {  	p0 =	seq.s32 s5, $0x0;
	s5 =	sld [smem:$0x3FA6]  }
0x2b: {  	s6 =	sld [smem:$0x3FA7]  }
0x2c: {  	s7 =	sld [smem:$0x3FA8]  }
0x2d: {  	s3 =	simm.s32 $0x108;
	s8 =	sld [smem:$0x3FA9]  }
0x2e: {  	s3 =	simm.s32 @!p0 $0x1082;
	s9 =	sld [smem:$0x3FAA]  }
0x2f: {  	lr =	sadd.s32 s0, s3;
	s0 =	sld [smem:$0x3FA1]  }
0x30: {  	s3 =	sld [smem:$0x3FA4]  }
0x31: {  	[smem:$0x3FAD] =	sst s10  }
0x32: {  	s10 =	sld [smem:$0x3FAB];
	_ =	sdelay $0x3  }
0x33: {  	p0 =	seq.s32 s10, $0x1;
	s10 =	sld [smem:$0x3FAD];
	_ =	sdelay $0x3  }
0x34: {  	[smem:$0x3FAD] =	sst s10  }
0x35: {  	s10 =	sld [smem:$0x3FAC];
	_ =	sdelay $0x3  }
0x36: {  	p1 =	seq.s32 s10, $0x1;
	s10 =	sld [smem:$0x3FAD];
	_ =	sdelay $0x3  }
0x37: {  	[smem:$0x3FAD] =	sst s10  }
0x38: {  	s10 =	sld [smem:$0x3FAE]  }
0x39: {  	_ = 	snop;
	(pc) =	sbr.ind lr, $3  }
0x3a: {  	_ = 	snop  }
0x3b: {  	_ = 	snop  }
0x3c: {  	p2 =	seq.s32 s10, $0x1;
	s10 =	sld [smem:$0x3FAD]  }
0x3d: {  	_ =	shalt  }
0x3e: {  	_ =	shalt  }
0x3f: {  	_ =	shalt  }
0x40: {  	_ =	shalt  }
0x41: {  	_ =	shalt  }
0x42: {  	_ =	shalt  }
0x43: {  	_ =	shalt  }
0x44: {  	_ =	shalt  }
0x45: {  	_ =	shalt  }
0x46: {  	_ =	shalt  }
0x47: {  	_ =	shalt  }
0x48: {  	_ =	shalt  }
0x49: {  	_ =	shalt  }
0x4a: {  	_ =	shalt  }
0x4b: {  	_ =	shalt  }
0x4c: {  	_ =	shalt  }
0x4d: {  	_ =	shalt  }
0x4e: {  	_ =	shalt  }
0x4f: {  	_ =	shalt  }
0x50: {  	_ =	shalt  }
0x51: {  	_ =	shalt  }
0x52: {  	_ =	shalt  }
0x53: {  	_ =	shalt  }
0x54: {  	_ =	shalt  }
0x55: {  	_ =	shalt  }
0x56: {  	_ =	shalt  }
0x57: {  	_ =	shalt  }
0x58: {  	_ =	shalt  }
0x59: {  	_ =	shalt  }
0x5a: {  	_ =	shalt  }
0x5b: {  	_ =	shalt  }
0x5c: {  	_ =	shalt  }
0x5d: {  	_ =	shalt  }
0x5e: {  	_ =	shalt  }
0x5f: {  	_ =	shalt  }
0x60: {  	_ =	shalt  }
0x61: {  	_ =	shalt  }
0x62: {  	_ =	shalt  }
0x63: {  	_ =	shalt  }
0x64: {  	_ =	shalt  }
0x65: {  	_ =	shalt  }
0x66: {  	_ =	shalt  }
0x67: {  	_ =	shalt  }
0x68: {  	_ =	shalt  }
0x69: {  	_ =	shalt  }
0x6a: {  	_ =	shalt  }
0x6b: {  	_ =	shalt  }
0x6c: {  	_ =	shalt  }
0x6d: {  	_ =	shalt  }
0x6e: {  	_ =	shalt  }
0x6f: {  	_ =	shalt  }
0x70: {  	_ =	shalt  }
0x71: {  	_ =	shalt  }
0x72: {  	_ =	shalt  }
0x73: {  	_ =	shalt  }
0x74: {  	_ =	shalt  }
0x75: {  	_ =	shalt  }
0x76: {  	_ =	shalt  }
0x77: {  	_ =	shalt  }
0x78: {  	_ =	shalt  }
0x79: {  	_ =	shalt  }
0x7a: {  	_ =	shalt  }
0x7b: {  	_ =	shalt  }
0x7c: {  	_ =	shalt  }
0x7d: {  	_ =	shalt  }
0x7e: {  	_ =	shalt  }
0x7f: {  	_ =	shalt  }
0x80: {  	_ =	shalt  }
0x81: {  	_ =	shalt  }
0x82: {  	_ =	shalt  }
0x83: {  	_ =	shalt  }
0x84: {  	_ =	shalt  }
0x85: {  	_ =	shalt  }
0x86: {  	_ =	shalt  }
0x87: {  	_ =	shalt  }
.Lfunc_end0:
.L_simem_size_0:
called_computation_lowered:
.L_overlay_start_0:
0x88: {  	s2 =	sld [smem:$0x3FD9]  }
0x89: {  	s3 =	sld [smem:$0x3FFE];
	_ =	sdelay $0x1  }
0x8a: {  	s1 =	srdreg.scid  }
0x8b: {  	s0 =	sand.u32 $0x1, s1  }
0x8c: {  	s17 =	sshll.u32 s0, $0xA;
	s2 =	sadd.s32 s3, s2  }
0x8d: {  	s2 =	sadd.s32 s2, s17  }
0x8e: {  	[smem:$0x3FB9] =	sst s2  }
0x8f: {  	_ = 	snop  }
0x90: {  	s2 =	sld [smem:$0x3FD0];
	(tm) =	ssettm $0x1  }
0x91: {  	s18 =	sld [smem:$0x3FFB];
	_ =	sdelay $0x3  }
0x92: {  	_ =	strace s18  }
0x93: {  	s3 =	sld [smem:$0x3FFC];
	_ =	sdelay $0x3  }
0x94: {  	_ =	strace s3  }
0x95: {  	s3 =	sld [smem:$0x3FFD];
	_ =	sdelay $0x3  }
0x96: {  	_ =	strace s3  }
0x97: {  	_ =	strace $0x8FFFFFFF  }
0x98: {  	s19 =	sld [smem:$0x3FDB];
	_ =	sdelay $0x1  }
0x99: {  	s4 =	simm.s32 $_scs_section_size  }
0x9a: {  	s5 =	simm.s32 $_size__tile_overlayer_lowered;
	s6 =	simm.s32 $_tile_overlayer_lowered  }
0x9b: {  	s22 =	simm.s32 $0x1BFF;
	s21 =	sshll.u32 s6, $0x1;
	s3 =	sadd.s32 s4, s19  }
0x9c: {  	s7 =	simm.s32 $0x0;
	s20 =	sshll.u32 s5, $0x1;
	s5 =	sadd.s32 s21, s3  }
0x9d: {  	[timem:s7], [sflag:s22] =	dma.local [hbm:s5], s20  }
0x9e: {  	_ =	swait.ge [sflag:s22], s20  }
0x9f: {  	s4 =	ssub.s32 $0x0, s20;
	[sflag:s22] =	ssyncset.done $0x0  }
0xa0: {  	[sflag:s22] =	ssyncadd.s32 s4;
	_ =	sdelay $0x1  }
0xa1: {  	s23 =	simm.s32 $0x1B8B  }
0xa2: {  	_ =	swait.ge [sflag:s23], $0x1  }
0xa3: {  	[sflag:s23] =	ssyncset.done $0x0  }
0xa4: {  	s25 =	simm.s32 $0x1B8E;
	s24 =	sld [smem:$0x3FFE];
	[sflag:s23] =	ssyncadd.s32 $0xFFFFFFFF  }
0xa5: {  	s26 =	simm.s32 $execute0_lowered;
	[smem:$0x3FD2] =	sst s25  }
0xa6: {  	s5 =	sshll.u32 s26, $0x1;
	_ =	strace $0x80000046;
	[dreg:$0x1] =	wrdreg $0xFFFFFFFF  }
0xa7: {  	s28 =	simm.s32 $_size_execute0_lowered;
	s3 =	sadd.s32 s3, s5;
	[dreg:$0x0] =	wrdreg $0x0  }
0xa8: {  	s5 =	sshll.u32 s28, $0x1;
	[dreg:$0x2] =	wrdreg s3  }
0xa9: {  	[dreg:$0x3] =	wrdreg s5  }
0xaa: {  	[dreg:$0x4] =	wrdreg $0xC0  }
0xab: {  	_ =	task [dreg:s7], $0x5FFFF  }
0xac: {  	[dreg:$0x1] =	wrdreg $0xFFFFFFFF  }
0xad: {  	[dreg:$0x0] =	wrdreg $0x60  }
0xae: {  	[dreg:$0x2] =	wrdreg s24  }
0xaf: {  	[dreg:$0x3] =	wrdreg s2  }
0xb0: {  	[dreg:$0x4] =	wrdreg $0x96400  }
0xb1: {  	[dreg:$0x5] =	wrdreg $0x9  }
0xb2: {  	_ =	task.clear_ibuf [dreg:s7], $0x6FFFF;
	_ =	strace $0x90000046  }
0xb3: {  	s29 =	simm.s32 $0x9;
	_ =	strace $0x80000048  }
0xb4: {  	_ =	swait.ge [sflag:s29], $0x1  }
0xb5: {  	[sflag:s29] =	ssyncadd.s32 $0xFFFFFFFF  }
0xb6: {  	_ =	strace $0x90000048  }
0xb7: {  	_ =	sfence  }
0xb8: {  	s30 =	sld [smem:$0x0];
	_ =	sdelay $0x2  }
0xb9: {  	s31 =	sshll.u32 s1, $0xD;
	s1 =	sshrl.u32 s1, $0x2  }
0xba: {  	s3 =	sand.u32 $0x4000, s31;
	s1 =	sadd.s32 s1, s30  }
0xbb: {  	s0 =	sor.u32 s3, s0;
	s1 =	sshll.u32 s1, $0x11  }
0xbc: {  	s0 =	sor.u32 s1, s0  }
0xbd: {  	s0 =	sadd.s32 $0x8F2B, s0  }
0xbe: {  	[sflag:s0] =	ssyncadd.remote.s32 $0x1  }
0xbf: {  	_ =	sfence.sel $0xFFFF  }
0xc0: {  	[dreg:$0x0] =	wrdreg $0xFFFFFFFF;
	(pc) =	sbr.abs _section_cstart, $3  }
0xc1: {  	[dreg:$0x1] =	wrdreg $0xFFFFFFFF  }
0xc2: {  	_ =	task.clear_ibuf [dreg:s7], $0x2FFFF;
	_ =	strace $0x9FFFFFFF  }
0xc3: {  	(tm) =	ssettm $0x7FFFFFFF  }
tec
execute0_lowered:
.L_overlay_start_1:
0x0: {  	(tag) =	ssettag $0x1  }
0x1: {  	s6 =	rddreg [dreg:$0x0]  }
0x2: {  	s0 =	srdreg.scid;
	s7 =	rddreg [dreg:$0x1]  }
0x3: {  	s10 =	stileid.u32;
	s1 =	rddreg [dreg:$0x2];
	s2 =	simm.s32 $0x0  }
0x4: {  	s16 =	simm.s32 $0x40;
	s17 =	simm.s32 $0x7240;
	s18 =	simm.s32 $0x0  }
0x5: {  	s5 =	sand.u32 $0x1, s0;
	s9 =	smul.u32 $0x15F90, s10;
	[smem:$0x7FF] =	sst s2  }
0x6: {  	s3 =	sadd.s32 $0xC400, s6;
	s13 =	sshll.u32 s10, $0x6;
	p0 =	sne.s32 s10, $0x0  }
0x7: {  	s0 =	sshll.u32 s5, $0x4;
	s4 =	smul.u32 $0x15F900, s5;
	s5 =	ssub.s32 $0x2, s5  }
0x8: {  	s0 =	sor.u32 s10, s0;
	s31 =	sshrl.u32 s5, $0x1;
	s15 =	sadd.s32 s9, s1  }
0x9: {  	s8 =	smul.u32 $0x4E4, s0;
	s0 =	rddreg [dreg:$0x3];
	_ =	strace $0x80000047  }
0xa: {  	s12 =	sadd.s32 s9, s4;
	s4 =	sadd.s32 $0x38400, s6;
	s14 =	ssub.s32 s5, s31  }
0xb: {  	s5 =	sor.u32 $0x1C05, s13;
	s13 =	sadd.s32 $0x15F900, s1;
	s10 =	sshrl.u32 s15, $0x3  }
0xc: {  	s15 =	simm.s32 $0x6040;
	s12 =	sshrl.u32 s12, $0x3;
	s9 =	smax.u32 s14, $0x1  }
0xd: {  	s14 =	simm.s32 $0x4E40;
	s11 =	sadd.s32 s8, s6;
	s12 =	sadd.s32 s12, s6  }
0xe: {  	s6 =	sadd.s32 s7, s8;
	s7 =	sadd.s32 $0x2600, s11;
	s8 =	sadd.s32 $0x3B000, s12  }
0xf: {  	s11 =	simm.s32 $0x5;
	s12 =	sshrl.u32 @!p0 s13, $0x3;
	s13 =	simm.s32 $0x20  }
.LBB2_1:
0x10: {  	[spmem:s10], [sflag:s5] =	dma.local [hbm:s4], $0x2BF2  }
0x11: {  	_ =	swait.ge [sflag:s11], $0x2BF2  }
0x12: {  	[sflag:s11] =	ssyncset.done $0x0  }
0x13: {  	s19 =	simm.s32 @!p0 $0x5;
	[sflag:s11] =	ssyncadd.s32 $0xFFFFD40E  }
0x14: {  	[spmem:s12], [sflag:s5] =	dma.local @!p0 [hbm:s4], $0x90  }
0x15: {  	_ =	swait.ge @!p0 [sflag:s19], $0x90  }
0x16: {  	[sflag:s19] =	ssyncset.done @!p0 $0x0  }
0x17: {  	[sflag:s19] =	ssyncadd.s32 @!p0 $0xFFFFFF70  }
0x18: {  	[tilespmem:s2], [sflag:$0x5] =	stream.linear.gather [hbm4b:s6+s2], $0x2720, $0x38;
	[tilespmem:$0x1F618] =	vst v63  }
0x19: {  	_ =	swait.ge [sflag:s11], $0x2720  }
0x1a: {  	[sflag:s11] =	ssyncset.done $0x0  }
0x1b: {  	s19 =	simm.s32 $0x2720;
	[sflag:s11] =	ssyncadd.s32 $0xFFFFD8E0  }
0x1c: {  	[tilespmem:s19], [sflag:$0x5] =	stream.linear.gather [hbm4b:s7+s2], $0x2720, $0x38;
	[tilespmem:$0x1F618] =	vst v63  }
0x1d: {  	s20 =	simm.s32 $0x3;
	p1 =	por $0x0, $0x0;
	_ =	swait.ge [sflag:s11], $0x2720  }
0x1e: {  	s21 =	simm.s32 $0x0;
	s23 =	simm.s32 $0x60;
	[sflag:s11] =	ssyncset.done $0x0  }
0x1f: {  	s24 =	simm.s32 $0x4;
	s20 =	sand.u32 @!p1 $0x3, s20;
	[sflag:s11] =	ssyncadd.s32 $0xFFFFD8E0  }
0x20: {  	s25 =	sand.u32 $0x3, s21;
	s22 =	smul.u32 @!p1 $0x4800, s20;
	[bflag:$0x0] =	sbarrier.arrive $0xFFFF  }
0x21: {  	[tilespmem:s14], [sflag:$0x1] =	stream.indirect.gather [hbm4b:s3+s13], $0x90, s2, s13, $0xb8;
	[tilespmem:$0x1F618] =	vst v63  }
0x22: {  	s28 =	simm.s32 @!p1 $0x20;
	s21 =	smul.u32 $0x4800, s25;
	s20 =	sadd.s32 @!p1 $0x1, s20  }
0x23: {  	[tilespmem:s15], [sflag:$0x2] =	stream.indirect.gather [hbm4b:s3+s13], $0x90, s13, s13, $0xb8;
	[tilespmem:$0x1F618] =	vst v63  }
0x24: {  	s29 =	sadd.s32 $0x1, s25;
	s26 =	sshrl.u32 @!p1 s22, $0x2;
	s22 =	simm.s32 $0x5  }
0x25: {  	[tilespmem:s17], [sflag:$0x3] =	stream.indirect.gather [hbm4b:s3+s13], $0x90, s16, s13, $0xb8;
	[tilespmem:$0x1F618] =	vst v63  }
0x26: {  	s31 =	sshrl.u32 s21, $0x2;
	s21 =	simm.s32 $0x80;
	s26 =	sadd.s32 @!p1 $0x4E40, s26  }
0x27: {  	[tilespmem:s26], [sflag:s20] =	stream.indirect.gather @!p1 [hbm4b:s3+s28], $0x90, s23, s28, $0xb8;
	[tilespmem:$0x1F618] =	vst v63  }
0x28: {  	s20 =	simm.s32 $0x2740;
	s28 =	simm.s32 $0x1;
	s26 =	sadd.s32 $0x4E40, s31  }
0x29: {  	p1 =	por $0x0, $0x0;
	s23 =	sand.u32 $0x3, s28;
	_ =	swait.ge [sflag:s29], $0x1200  }
0x2a: {  	s25 =	sand.u32 @!p1 $0x3, s24;
	s24 =	smul.u32 $0x4800, s23;
	[sflag:s29] =	ssyncset.done $0x0  }
0x2b: {  	s28 =	smul.u32 @!p1 $0x4800, s25;
	s25 =	sadd.s32 @!p1 $0x1, s25;
	[sflag:s29] =	ssyncadd.s32 $0xFFFFEE00  }
.LBB2_2:
0x2c: {  	[spmem:s1] =	stream.indirect.scatter.add.f32 [tilespmem:s26], [sflag:$0x5], $0x90, s19, s13, $0xb8;
	[tilespmem:$0x1F618] =	vst v63  }
0x2d: {  	s29 =	smov.u32 s22;
	s19 =	smov.u32 s20  }
0x2e: {  	s22 =	sadd.s32 $0x1, s22;
	s26 =	sshrl.u32 @!p1 s28, $0x2;
	_ =	swait.ge [sflag:s11], $0x1200  }
0x2f: {  	p2 =	sne.s32 s22, $0x13C;
	s26 =	sadd.s32 @!p1 $0x4E40, s26;
	[sflag:s11] =	ssyncset.done $0x0  }
0x30: {  	s20 =	sadd.s32 $0x20, s20;
	s28 =	simm.s32 @!p1 $0x20;
	[sflag:s11] =	ssyncadd.s32 $0xFFFFEE00  }
0x31: {  	[tilespmem:s26], [sflag:s25] =	stream.indirect.gather @!p1 [hbm4b:s3+s28], $0x90, s21, s28, $0xb8;
	[tilespmem:$0x1F618] =	vst v63  }
.Ltmp0:
0x32: {  	s24 =	sshrl.u32 s24, $0x2;
	s21 =	sadd.s32 $0x20, s21;
	(pc) =	sbr.rel @p2 .LBB2_2-.Ltmp0, $4  }
0x33: {  	s30 =	sadd.s32 $0x1, s23;
	s25 =	sadd.s32 $0xFFFFFFFD, s29;
	s26 =	sadd.s32 $0x4E40, s24  }
0x34: {  	s23 =	sand.u32 $0x3, s25;
	p1 =	sgt.u32 s25, $0x135;
	_ =	swait.ge [sflag:s30], $0x1200  }
0x35: {  	s25 =	sand.u32 @!p1 $0x3, s29;
	s24 =	smul.u32 $0x4800, s23;
	[sflag:s30] =	ssyncset.done $0x0  }
0x36: {  	s28 =	smul.u32 @!p1 $0x4800, s25;
	s25 =	sadd.s32 @!p1 $0x1, s25;
	[sflag:s30] =	ssyncadd.s32 $0xFFFFEE00  }
0x37: {  	[spmem:s1] =	stream.indirect.scatter.add.f32 [tilespmem:s26], [sflag:$0x5], $0x90, s19, s13, $0xb8;
	[tilespmem:$0x1F618] =	vst v63  }
0x38: {  	_ =	swait.ge [sflag:s11], $0x1200  }
0x39: {  	s22 =	simm.s32 @!p1 $0x20;
	s19 =	sshrl.u32 @!p1 s28, $0x2;
	[sflag:s11] =	ssyncset.done $0x0  }
0x3a: {  	s30 =	sadd.s32 $0x1, s23;
	s19 =	sadd.s32 @!p1 $0x4E40, s19;
	[sflag:s11] =	ssyncadd.s32 $0xFFFFEE00  }
0x3b: {  	[tilespmem:s19], [sflag:s25] =	stream.indirect.gather @!p1 [hbm4b:s3+s22], $0x90, s21, s22, $0xb8;
	[tilespmem:$0x1F618] =	vst v63  }
0x3c: {  	_ =	swait.ge [sflag:s30], $0x1200  }
0x3d: {  	s31 =	sshrl.u32 s24, $0x2;
	[sflag:s30] =	ssyncset.done $0x0  }
0x3e: {  	s21 =	sadd.s32 $0x4E40, s31;
	[sflag:s30] =	ssyncadd.s32 $0xFFFFEE00  }
0x3f: {  	[spmem:s1] =	stream.indirect.scatter.add.f32 [tilespmem:s21], [sflag:$0x5], $0x90, s20, s13, $0xb8;
	[tilespmem:$0x1F618] =	vst v63  }
0x40: {  	_ =	swait.ge [sflag:s11], $0x1200  }
0x41: {  	s18 =	sadd.s32 $0x1, s18;
	[sflag:s11] =	ssyncset.done $0x0  }
0x42: {  	p1 =	sne.s32 s18, s9;
	[sflag:s11] =	ssyncadd.s32 $0xFFFFEE00  }
.Ltmp1:
0x43: {  	[bflag:$0x0] =	sbarrier.arrive $0xFFFF;
	(pc) =	sbr.rel @p1 .LBB2_1-.Ltmp1, $4  }
0x44: {  	[hbm:s8], [sflag:s5] =	dma.local [spmem:s10], $0x2BF2  }
0x45: {  	_ =	swait.ge [sflag:s11], $0x2BF2  }
0x46: {  	[sflag:s11] =	ssyncset.done $0x0  }
0x47: {  	[sflag:s11] =	ssyncadd.s32 $0xFFFFD40E  }
0x48: {  	_ =	sfence.sel $0x180000  }
0x49: {  	[bflag:$0x0] =	sbarrier.arrive $0xFFFF  }
0x4a: {  	_ =	strace $0x90000047  }
0x4b: {  	s0 =	sadd.s32 @!p0 $0x100000, s0;
	[bflag:$0x2] =	sbarrier.arrive $0xFFFF  }
0x4c: {  	[sflag:s0] =	ssyncadd.tile.s32 @!p0 $0x1;
	_ =	shalt  }
.Lfunc_end2:
_tile_overlayer_lowered:
.L_overlay_start_2:
0x4d: {  	(tag) =	ssettag $0x2  }
0x4e: {  	s0 =	rddreg [dreg:$0x0];
	s2 =	stileid.u32  }
0x4f: {  	s1 =	rddreg [dreg:$0x1];
	p0 =	sne.s32 s2, $0x0  }
0x50: {  	s3 =	rddreg [dreg:$0x2];
	[bflag:$0x3] =	sbarrier.arrive $0xFFFF;
	s2 =	simm.s32 @!p0 $0x1C05  }
0x51: {  	[timem:s3], [sflag:s2] =	dma.local @!p0 [hbm:s0], s1  }
0x52: {  	s0 =	simm.s32 @!p0 $0x5  }
0x53: {  	_ =	swait.ge @!p0 [sflag:s0], s1  }
0x54: {  	s1 =	ssub.s32 @!p0 $0x0, s1;
	[sflag:s0] =	ssyncset.done @!p0 $0x0  }
0x55: {  	[sflag:s0] =	ssyncadd.s32 @!p0 s1  }
0x56: {  	[bflag:$0x3] =	sbarrier.arrive $0xFFFF  }
0x57: {  	_ =	shalt  }

</sc_bundles>
